<compile_context>
chip_gen: v7x
topology: tpu7x:2x2x1
jax: 0.10.2.dev20260603
libtpu: 0.0.44.dev20260713+nightly
codegen_flags: <defaults>
</compile_context>

<pallas_src>
import functools

import jax
import jax.numpy as jnp
from jax import lax
from jax.experimental import pallas as pl
from jax.experimental.pallas import tpu as pltpu
from jax.experimental.pallas import tpu_sc as plsc


def _lookup(idx, tt):
    (B,) = idx.shape
    D, V = tt.shape
    info = plsc.get_sparse_core_info()
    NW = info.num_cores * info.num_subcores
    L = info.num_lanes
    bpw = B // NW
    WAVE = 16
    nwave = bpw // WAVE
    mesh = plsc.VectorSubcoreMesh(core_axis_name="c", subcore_axis_name="s")

    @functools.partial(
        pl.kernel,
        mesh=mesh,
        out_type=jax.ShapeDtypeStruct((D, B), jnp.float32),
        scratch_types=[
            pltpu.VMEM((bpw,), jnp.int32),
            pltpu.VMEM((WAVE, D, 128), jnp.float32),
            pltpu.VMEM((D, bpw), jnp.float32),
            pltpu.SemaphoreType.DMA,
        ],
        compiler_params=pltpu.CompilerParams(needs_layout_passes=False),
    )
    def k(tt_hbm, idx_hbm, out_hbm, idx_v, slab_v, col_v, sem):
        wid = lax.axis_index("s") * info.num_cores + lax.axis_index("c")
        base = wid * bpw
        pltpu.sync_copy(idx_hbm.at[pl.ds(base, bpw)], idx_v)

        def wave(g, carry):
            v = idx_v[pl.ds(g * WAVE, L)]
            w = (v >> 7) << 7
            l = v & 127
            for j in range(WAVE):
                row = pl.multiple_of(w[j], 128)
                pltpu.async_copy(
                    tt_hbm.at[:, pl.ds(row, 128)], slab_v.at[j], sem
                )
            for j in range(WAVE):
                pltpu.make_async_copy(
                    tt_hbm.at[:, pl.ds(0, 128)], slab_v.at[0], sem
                ).wait()
            jbase = g * WAVE
            for j in range(WAVE):
                lane = jnp.full((L,), l[j], jnp.int32)
                sj = jnp.full((L,), j, jnp.int32)
                jcol = jnp.full((L,), jbase + j, jnp.int32)
                for h in range(D // L):
                    dvec = lax.iota(jnp.int32, L) + h * L
                    vals = plsc.load_gather(slab_v, [sj, dvec, lane])
                    plsc.store_scatter(col_v, [dvec, jcol], vals)
            return carry

        lax.fori_loop(0, nwave, wave, 0)
        pltpu.sync_copy(col_v, out_hbm.at[:, pl.ds(base, bpw)])

    return k(tt, idx)


def kernel(indices, embeddings):
    out_t = _lookup(indices.astype(jnp.int32), embeddings.T)
    return out_t.T

# --- scband reference (transcript-rebuilt; emitter-appended) ---
"""Pipeline reference for scband-embedding-layer-80771154968817 (READ-ONLY COPY).

The authoritative reference and input builder live on the scoring server;
editing this copy changes nothing except your own understanding.
"""

import jax, jax.numpy as jnp
import numpy as np

NUM_EMBEDDINGS = 1000000
EMBEDDING_DIM = 32
BATCH = 16384

def setup_inputs(seed: int = 0) -> dict:
    key = jax.random.key(seed)
    k_idx, k_emb = jax.random.split(key)
    indices = jax.random.randint(k_idx, (BATCH,), 0, NUM_EMBEDDINGS, dtype=jnp.int64 if jax.config.jax_enable_x64 else jnp.int32)
    embeddings = jax.random.normal(k_emb, (NUM_EMBEDDINGS, EMBEDDING_DIM), dtype=jnp.float32)
    return {"indices": indices, "embeddings": embeddings}

def reference(indices, embeddings):
    # tf.nn.embedding_lookup(embeddings, indices)
    # No activation function (activationFunction=None) and no dropout at inference,
    # so the layer output is exactly the gathered rows.
    activations = jnp.take(embeddings, indices, axis=0)
    return activations

if __name__ == "__main__":
    import jax
    _d = setup_inputs()
    print(jax.jit(kernel)(*tuple(_d.values())))

</pallas_src>

<mosaic_0001>
#map = affine_map<(d0, d1) -> (0, 0)>
#map1 = affine_map<(d0, d1) -> (0)>
module attributes {stable_mosaic.version = 14 : i64} {
  func.func @k(%arg0: i32, %arg1: i32, %arg2: memref<32x1000000xf32, #tpu.memory_space<hbm>>, %arg3: memref<16384xi32, #tpu.memory_space<hbm>>, %arg4: memref<32x16384xf32, #tpu.memory_space<hbm>>, %arg5: memref<512xi32, #tpu.memory_space<vmem>>, %arg6: memref<16x32x128xf32, #tpu.memory_space<vmem>>, %arg7: memref<32x512xf32, #tpu.memory_space<vmem>>, %arg8: memref<!tpu.dma_semaphore, #tpu.memory_space<semaphore_mem>>) attributes {dimension_semantics = [#tpu.dimension_semantics<core_parallel>, #tpu.dimension_semantics<subcore_parallel>], iteration_bounds = array<i64: 2, 16>, scalar_prefetch = 0 : i64, scratch_operands = 4 : i64, tpu.core_type = #tpu.core_type<sc_vector_subcore>, window_params = [{transform_indices = #map}, {transform_indices = #map1}, {transform_indices = #map}]} {
    %mul3A = arith.constant 2 : i32
    %mul3A_0 = arith.muli %arg1, %mul3A : i32
    %add3A = arith.addi %mul3A_0, %arg0 : i32
    %mul3A_1 = arith.constant 512 : i32
    %mul3A_2 = arith.muli %add3A, %mul3A_1 : i32
    "tpu.region"() ({
      %run_scoped3A = tpu.sem_alloc : memref<!tpu.dma_semaphore, #tpu.memory_space<semaphore_mem>>
      %dma_start3A = tpu.memref_slice %arg3[%mul3A_2] : memref<16384xi32, #tpu.memory_space<hbm>> -> memref<512xi32, #tpu.memory_space<hbm>>
      %dma_start3A_8 = tpu.memref_slice %arg3[%mul3A_2] : memref<16384xi32, #tpu.memory_space<hbm>> -> memref<512xi32, #tpu.memory_space<hbm>>
      tpu.enqueue_dma source(%dma_start3A_8 : memref<512xi32, #tpu.memory_space<hbm>>) target(%arg5 : memref<512xi32, #tpu.memory_space<vmem>>) target_semaphore(%run_scoped3A : memref<!tpu.dma_semaphore, #tpu.memory_space<semaphore_mem>>)
      %dma_wait3A = tpu.memref_slice %arg3[%mul3A_2] : memref<16384xi32, #tpu.memory_space<hbm>> -> memref<512xi32, #tpu.memory_space<hbm>>
      %dma_wait3A_9 = tpu.memref_slice %arg3[%mul3A_2] : memref<16384xi32, #tpu.memory_space<hbm>> -> memref<512xi32, #tpu.memory_space<hbm>>
      tpu.wait_dma2 semaphore(%run_scoped3A : memref<!tpu.dma_semaphore, #tpu.memory_space<semaphore_mem>>) src(%dma_wait3A_9 : memref<512xi32, #tpu.memory_space<hbm>>) dst(%arg5 : memref<512xi32, #tpu.memory_space<vmem>>)
      tpu.yield
    }) : () -> ()
    %scan3A = arith.constant 0 : i32
    %scan3A_3 = arith.constant 0 : i32
    %scan3A_4 = arith.constant 32 : i32
    %scan3A_5 = arith.addi %scan3A_3, %scan3A_4 : i32
    %scan3A_6 = arith.constant 1 : i32
    scf.for %scan3A_8 = %scan3A_3 to %scan3A_5 step %scan3A_6  : i32 {
      %mul3A_9 = arith.constant 16 : i32
      %mul3A_10 = arith.muli %scan3A_8, %mul3A_9 : i32
      %get3A = arith.index_cast %mul3A_10 : i32 to index
      %get3A_11 = tpu.vector_load %arg5[%get3A] {strides = array<i32>} : memref<512xi32, #tpu.memory_space<vmem>>, vector<16xi32>,
      %shift_right_arithmetic3A = arith.constant 7 : i32
      %shift_right_arithmetic3A_12 = vector.broadcast %shift_right_arithmetic3A : i32 to vector<16xi32>
      %shift_right_arithmetic3A_13 = arith.shrsi %get3A_11, %shift_right_arithmetic3A_12 : vector<16xi32>
      %shift_left3A = arith.constant 7 : i32
      %shift_left3A_14 = vector.broadcast %shift_left3A : i32 to vector<16xi32>
      %shift_left3A_15 = arith.shli %shift_right_arithmetic3A_13, %shift_left3A_14 : vector<16xi32>
      %and3A = arith.constant 127 : i32
      %and3A_16 = vector.broadcast %and3A : i32 to vector<16xi32>
      %and3A_17 = arith.andi %get3A_11, %and3A_16 : vector<16xi32>
      %slice3A = vector.extract_strided_slice %shift_left3A_15 {offsets = [0], sizes = [1], strides = [1]} : vector<16xi32> to vector<1xi32>
      %squeeze3A = vector.extract %slice3A[0] : i32 from vector<1xi32>
      %multiple_of3A = tpu.assume_multiple %squeeze3A, 128 : i32
      %dma_start3A = arith.constant 0 : i32
      %dma_start3A_18 = arith.constant 0 : i32
      %dma_start3A_19 = arith.constant 0 : i32
      %dma_start3A_20 = tpu.memref_slice %arg6[%dma_start3A, %dma_start3A_18, %dma_start3A_19] : memref<16x32x128xf32, #tpu.memory_space<vmem>> -> memref<1x32x128xf32, #tpu.memory_space<vmem>>
      %dma_start3A_21 = tpu.memref_squeeze %dma_start3A_20 : memref<1x32x128xf32, #tpu.memory_space<vmem>> -> memref<32x128xf32, #tpu.memory_space<vmem>>
      %dma_start3A_22 = arith.constant 0 : i32
      %dma_start3A_23 = tpu.memref_slice %arg2[%dma_start3A_22, %multiple_of3A] : memref<32x1000000xf32, #tpu.memory_space<hbm>> -> memref<32x128xf32, #tpu.memory_space<hbm>>
      %dma_start3A_24 = arith.constant 0 : i32
      %dma_start3A_25 = arith.constant 0 : i32
      %dma_start3A_26 = tpu.memref_slice %arg6[%dma_start3A, %dma_start3A_24, %dma_start3A_25] : memref<16x32x128xf32, #tpu.memory_space<vmem>> -> memref<1x32x128xf32, #tpu.memory_space<vmem>>
      %dma_start3A_27 = tpu.memref_squeeze %dma_start3A_26 : memref<1x32x128xf32, #tpu.memory_space<vmem>> -> memref<32x128xf32, #tpu.memory_space<vmem>>
      %dma_start3A_28 = arith.constant 0 : i32
      %dma_start3A_29 = tpu.memref_slice %arg2[%dma_start3A_28, %multiple_of3A] : memref<32x1000000xf32, #tpu.memory_space<hbm>> -> memref<32x128xf32, #tpu.memory_space<hbm>>
      tpu.enqueue_dma source(%dma_start3A_29 : memref<32x128xf32, #tpu.memory_space<hbm>>) target(%dma_start3A_27 : memref<32x128xf32, #tpu.memory_space<vmem>>) target_semaphore(%arg8 : memref<!tpu.dma_semaphore, #tpu.memory_space<semaphore_mem>>)
      %slice3A_30 = vector.extract_strided_slice %shift_left3A_15 {offsets = [1], sizes = [1], strides = [1]} : vector<16xi32> to vector<1xi32>
      %squeeze3A_31 = vector.extract %slice3A_30[0] : i32 from vector<1xi32>
      %multiple_of3A_32 = tpu.assume_multiple %squeeze3A_31, 128 : i32
      %dma_start3A_33 = arith.constant 1 : i32
      %dma_start3A_34 = arith.constant 0 : i32
      %dma_start3A_35 = arith.constant 0 : i32
      %dma_start3A_36 = tpu.memref_slice %arg6[%dma_start3A_33, %dma_start3A_34, %dma_start3A_35] : memref<16x32x128xf32, #tpu.memory_space<vmem>> -> memref<1x32x128xf32, #tpu.memory_space<vmem>>
      %dma_start3A_37 = tpu.memref_squeeze %dma_start3A_36 : memref<1x32x128xf32, #tpu.memory_space<vmem>> -> memref<32x128xf32, #tpu.memory_space<vmem>>
      %dma_start3A_38 = arith.constant 0 : i32
      %dma_start3A_39 = tpu.memref_slice %arg2[%dma_start3A_38, %multiple_of3A_32] : memref<32x1000000xf32, #tpu.memory_space<hbm>> -> memref<32x128xf32, #tpu.memory_space<hbm>>
      %dma_start3A_40 = arith.constant 0 : i32
      %dma_start3A_41 = arith.constant 0 : i32
      %dma_start3A_42 = tpu.memref_slice %arg6[%dma_start3A_33, %dma_start3A_40, %dma_start3A_41] : memref<16x32x128xf32, #tpu.memory_space<vmem>> -> memref<1x32x128xf32, #tpu.memory_space<vmem>>
      %dma_start3A_43 = tpu.memref_squeeze %dma_start3A_42 : memref<1x32x128xf32, #tpu.memory_space<vmem>> -> memref<32x128xf32, #tpu.memory_space<vmem>>
      %dma_start3A_44 = arith.constant 0 : i32
      %dma_start3A_45 = tpu.memref_slice %arg2[%dma_start3A_44, %multiple_of3A_32] : memref<32x1000000xf32, #tpu.memory_space<hbm>> -> memref<32x128xf32, #tpu.memory_space<hbm>>
      tpu.enqueue_dma source(%dma_start3A_45 : memref<32x128xf32, #tpu.memory_space<hbm>>) target(%dma_start3A_43 : memref<32x128xf32, #tpu.memory_space<vmem>>) target_semaphore(%arg8 : memref<!tpu.dma_semaphore, #tpu.memory_space<semaphore_mem>>)
      %slice3A_46 = vector.extract_strided_slice %shift_left3A_15 {offsets = [2], sizes = [1], strides = [1]} : vector<16xi32> to vector<1xi32>
      %squeeze3A_47 = vector.extract %slice3A_46[0] : i32 from vector<1xi32>
      %multiple_of3A_48 = tpu.assume_multiple %squeeze3A_47, 128 : i32
      %dma_start3A_49 = arith.constant 2 : i32
      %dma_start3A_50 = arith.constant 0 : i32
      %dma_start3A_51 = arith.constant 0 : i32
      %dma_start3A_52 = tpu.memref_slice %arg6[%dma_start3A_49, %dma_start3A_50, %dma_start3A_51] : memref<16x32x128xf32, #tpu.memory_space<vmem>> -> memref<1x32x128xf32, #tpu.memory_space<vmem>>
      %dma_start3A_53 = tpu.memref_squeeze %dma_start3A_52 : memref<1x32x128xf32, #tpu.memory_space<vmem>> -> memref<32x128xf32, #tpu.memory_space<vmem>>
      %dma_start3A_54 = arith.constant 0 : i32
      %dma_start3A_55 = tpu.memref_slice %arg2[%dma_start3A_54, %multiple_of3A_48] : memref<32x1000000xf32, #tpu.memory_space<hbm>> -> memref<32x128xf32, #tpu.memory_space<hbm>>
      %dma_start3A_56 = arith.constant 0 : i32
      %dma_start3A_57 = arith.constant 0 : i32
      %dma_start3A_58 = tpu.memref_slice %arg6[%dma_start3A_49, %dma_start3A_56, %dma_start3A_57] : memref<16x32x128xf32, #tpu.memory_space<vmem>> -> memref<1x32x128xf32, #tpu.memory_space<vmem>>
      %dma_start3A_59 = tpu.memref_squeeze %dma_start3A_58 : memref<1x32x128xf32, #tpu.memory_space<vmem>> -> memref<32x128xf32, #tpu.memory_space<vmem>>
      %dma_start3A_60 = arith.constant 0 : i32
      %dma_start3A_61 = tpu.memref_slice %arg2[%dma_start3A_60, %multiple_of3A_48] : memref<32x1000000xf32, #tpu.memory_space<hbm>> -> memref<32x128xf32, #tpu.memory_space<hbm>>
      tpu.enqueue_dma source(%dma_start3A_61 : memref<32x128xf32, #tpu.memory_space<hbm>>) target(%dma_start3A_59 : memref<32x128xf32, #tpu.memory_space<vmem>>) target_semaphore(%arg8 : memref<!tpu.dma_semaphore, #tpu.memory_space<semaphore_mem>>)
      %slice3A_62 = vector.extract_strided_slice %shift_left3A_15 {offsets = [3], sizes = [1], strides = [1]} : vector<16xi32> to vector<1xi32>
      %squeeze3A_63 = vector.extract %slice3A_62[0] : i32 from vector<1xi32>
      %multiple_of3A_64 = tpu.assume_multiple %squeeze3A_63, 128 : i32
      %dma_start3A_65 = arith.constant 3 : i32
      %dma_start3A_66 = arith.constant 0 : i32
      %dma_start3A_67 = arith.constant 0 : i32
      %dma_start3A_68 = tpu.memref_slice %arg6[%dma_start3A_65, %dma_start3A_66, %dma_start3A_67] : memref<16x32x128xf32, #tpu.memory_space<vmem>> -> memref<1x32x128xf32, #tpu.memory_space<vmem>>
      %dma_start3A_69 = tpu.memref_squeeze %dma_start3A_68 : memref<1x32x128xf32, #tpu.memory_space<vmem>> -> memref<32x128xf32, #tpu.memory_space<vmem>>
      %dma_start3A_70 = arith.constant 0 : i32
      %dma_start3A_71 = tpu.memref_slice %arg2[%dma_start3A_70, %multiple_of3A_64] : memref<32x1000000xf32, #tpu.memory_space<hbm>> -> memref<32x128xf32, #tpu.memory_space<hbm>>
      %dma_start3A_72 = arith.constant 0 : i32
      %dma_start3A_73 = arith.constant 0 : i32
      %dma_start3A_74 = tpu.memref_slice %arg6[%dma_start3A_65, %dma_start3A_72, %dma_start3A_73] : memref<16x32x128xf32, #tpu.memory_space<vmem>> -> memref<1x32x128xf32, #tpu.memory_space<vmem>>
      %dma_start3A_75 = tpu.memref_squeeze %dma_start3A_74 : memref<1x32x128xf32, #tpu.memory_space<vmem>> -> memref<32x128xf32, #tpu.memory_space<vmem>>
      %dma_start3A_76 = arith.constant 0 : i32
      %dma_start3A_77 = tpu.memref_slice %arg2[%dma_start3A_76, %multiple_of3A_64] : memref<32x1000000xf32, #tpu.memory_space<hbm>> -> memref<32x128xf32, #tpu.memory_space<hbm>>
      tpu.enqueue_dma source(%dma_start3A_77 : memref<32x128xf32, #tpu.memory_space<hbm>>) target(%dma_start3A_75 : memref<32x128xf32, #tpu.memory_space<vmem>>) target_semaphore(%arg8 : memref<!tpu.dma_semaphore, #tpu.memory_space<semaphore_mem>>)
      %slice3A_78 = vector.extract_strided_slice %shift_left3A_15 {offsets = [4], sizes = [1], strides = [1]} : vector<16xi32> to vector<1xi32>
      %squeeze3A_79 = vector.extract %slice3A_78[0] : i32 from vector<1xi32>
      %multiple_of3A_80 = tpu.assume_multiple %squeeze3A_79, 128 : i32
      %dma_start3A_81 = arith.constant 4 : i32
      %dma_start3A_82 = arith.constant 0 : i32
      %dma_start3A_83 = arith.constant 0 : i32
      %dma_start3A_84 = tpu.memref_slice %arg6[%dma_start3A_81, %dma_start3A_82, %dma_start3A_83] : memref<16x32x128xf32, #tpu.memory_space<vmem>> -> memref<1x32x128xf32, #tpu.memory_space<vmem>>
      %dma_start3A_85 = tpu.memref_squeeze %dma_start3A_84 : memref<1x32x128xf32, #tpu.memory_space<vmem>> -> memref<32x128xf32, #tpu.memory_space<vmem>>
      %dma_start3A_86 = arith.constant 0 : i32
      %dma_start3A_87 = tpu.memref_slice %arg2[%dma_start3A_86, %multiple_of3A_80] : memref<32x1000000xf32, #tpu.memory_space<hbm>> -> memref<32x128xf32, #tpu.memory_space<hbm>>
      %dma_start3A_88 = arith.constant 0 : i32
      %dma_start3A_89 = arith.constant 0 : i32
      %dma_start3A_90 = tpu.memref_slice %arg6[%dma_start3A_81, %dma_start3A_88, %dma_start3A_89] : memref<16x32x128xf32, #tpu.memory_space<vmem>> -> memref<1x32x128xf32, #tpu.memory_space<vmem>>
      %dma_start3A_91 = tpu.memref_squeeze %dma_start3A_90 : memref<1x32x128xf32, #tpu.memory_space<vmem>> -> memref<32x128xf32, #tpu.memory_space<vmem>>
      %dma_start3A_92 = arith.constant 0 : i32
      %dma_start3A_93 = tpu.memref_slice %arg2[%dma_start3A_92, %multiple_of3A_80] : memref<32x1000000xf32, #tpu.memory_space<hbm>> -> memref<32x128xf32, #tpu.memory_space<hbm>>
      tpu.enqueue_dma source(%dma_start3A_93 : memref<32x128xf32, #tpu.memory_space<hbm>>) target(%dma_start3A_91 : memref<32x128xf32, #tpu.memory_space<vmem>>) target_semaphore(%arg8 : memref<!tpu.dma_semaphore, #tpu.memory_space<semaphore_mem>>)
      %slice3A_94 = vector.extract_strided_slice %shift_left3A_15 {offsets = [5], sizes = [1], strides = [1]} : vector<16xi32> to vector<1xi32>
      %squeeze3A_95 = vector.extract %slice3A_94[0] : i32 from vector<1xi32>
      %multiple_of3A_96 = tpu.assume_multiple %squeeze3A_95, 128 : i32
      %dma_start3A_97 = arith.constant 5 : i32
      %dma_start3A_98 = arith.constant 0 : i32
      %dma_start3A_99 = arith.constant 0 : i32
      %dma_start3A_100 = tpu.memref_slice %arg6[%dma_start3A_97, %dma_start3A_98, %dma_start3A_99] : memref<16x32x128xf32, #tpu.memory_space<vmem>> -> memref<1x32x128xf32, #tpu.memory_space<vmem>>
      %dma_start3A_101 = tpu.memref_squeeze %dma_start3A_100 : memref<1x32x128xf32, #tpu.memory_space<vmem>> -> memref<32x128xf32, #tpu.memory_space<vmem>>
      %dma_start3A_102 = arith.constant 0 : i32
      %dma_start3A_103 = tpu.memref_slice %arg2[%dma_start3A_102, %multiple_of3A_96] : memref<32x1000000xf32, #tpu.memory_space<hbm>> -> memref<32x128xf32, #tpu.memory_space<hbm>>
      %dma_start3A_104 = arith.constant 0 : i32
      %dma_start3A_105 = arith.constant 0 : i32
      %dma_start3A_106 = tpu.memref_slice %arg6[%dma_start3A_97, %dma_start3A_104, %dma_start3A_105] : memref<16x32x128xf32, #tpu.memory_space<vmem>> -> memref<1x32x128xf32, #tpu.memory_space<vmem>>
      %dma_start3A_107 = tpu.memref_squeeze %dma_start3A_106 : memref<1x32x128xf32, #tpu.memory_space<vmem>> -> memref<32x128xf32, #tpu.memory_space<vmem>>
      %dma_start3A_108 = arith.constant 0 : i32
      %dma_start3A_109 = tpu.memref_slice %arg2[%dma_start3A_108, %multiple_of3A_96] : memref<32x1000000xf32, #tpu.memory_space<hbm>> -> memref<32x128xf32, #tpu.memory_space<hbm>>
      tpu.enqueue_dma source(%dma_start3A_109 : memref<32x128xf32, #tpu.memory_space<hbm>>) target(%dma_start3A_107 : memref<32x128xf32, #tpu.memory_space<vmem>>) target_semaphore(%arg8 : memref<!tpu.dma_semaphore, #tpu.memory_space<semaphore_mem>>)
      %slice3A_110 = vector.extract_strided_slice %shift_left3A_15 {offsets = [6], sizes = [1], strides = [1]} : vector<16xi32> to vector<1xi32>
      %squeeze3A_111 = vector.extract %slice3A_110[0] : i32 from vector<1xi32>
      %multiple_of3A_112 = tpu.assume_multiple %squeeze3A_111, 128 : i32
      %dma_start3A_113 = arith.constant 6 : i32
      %dma_start3A_114 = arith.constant 0 : i32
      %dma_start3A_115 = arith.constant 0 : i32
      %dma_start3A_116 = tpu.memref_slice %arg6[%dma_start3A_113, %dma_start3A_114, %dma_start3A_115] : memref<16x32x128xf32, #tpu.memory_space<vmem>> -> memref<1x32x128xf32, #tpu.memory_space<vmem>>
      %dma_start3A_117 = tpu.memref_squeeze %dma_start3A_116 : memref<1x32x128xf32, #tpu.memory_space<vmem>> -> memref<32x128xf32, #tpu.memory_space<vmem>>
      %dma_start3A_118 = arith.constant 0 : i32
      %dma_start3A_119 = tpu.memref_slice %arg2[%dma_start3A_118, %multiple_of3A_112] : memref<32x1000000xf32, #tpu.memory_space<hbm>> -> memref<32x128xf32, #tpu.memory_space<hbm>>
      %dma_start3A_120 = arith.constant 0 : i32
      %dma_start3A_121 = arith.constant 0 : i32
      %dma_start3A_122 = tpu.memref_slice %arg6[%dma_start3A_113, %dma_start3A_120, %dma_start3A_121] : memref<16x32x128xf32, #tpu.memory_space<vmem>> -> memref<1x32x128xf32, #tpu.memory_space<vmem>>
      %dma_start3A_123 = tpu.memref_squeeze %dma_start3A_122 : memref<1x32x128xf32, #tpu.memory_space<vmem>> -> memref<32x128xf32, #tpu.memory_space<vmem>>
      %dma_start3A_124 = arith.constant 0 : i32
      %dma_start3A_125 = tpu.memref_slice %arg2[%dma_start3A_124, %multiple_of3A_112] : memref<32x1000000xf32, #tpu.memory_space<hbm>> -> memref<32x128xf32, #tpu.memory_space<hbm>>
      tpu.enqueue_dma source(%dma_start3A_125 : memref<32x128xf32, #tpu.memory_space<hbm>>) target(%dma_start3A_123 : memref<32x128xf32, #tpu.memory_space<vmem>>) target_semaphore(%arg8 : memref<!tpu.dma_semaphore, #tpu.memory_space<semaphore_mem>>)
      %slice3A_126 = vector.extract_strided_slice %shift_left3A_15 {offsets = [7], sizes = [1], strides = [1]} : vector<16xi32> to vector<1xi32>
      %squeeze3A_127 = vector.extract %slice3A_126[0] : i32 from vector<1xi32>
      %multiple_of3A_128 = tpu.assume_multiple %squeeze3A_127, 128 : i32
      %dma_start3A_129 = arith.constant 7 : i32
      %dma_start3A_130 = arith.constant 0 : i32
      %dma_start3A_131 = arith.constant 0 : i32
      %dma_start3A_132 = tpu.memref_slice %arg6[%dma_start3A_129, %dma_start3A_130, %dma_start3A_131] : memref<16x32x128xf32, #tpu.memory_space<vmem>> -> memref<1x32x128xf32, #tpu.memory_space<vmem>>
      %dma_start3A_133 = tpu.memref_squeeze %dma_start3A_132 : memref<1x32x128xf32, #tpu.memory_space<vmem>> -> memref<32x128xf32, #tpu.memory_space<vmem>>
      %dma_start3A_134 = arith.constant 0 : i32
      %dma_start3A_135 = tpu.memref_slice %arg2[%dma_start3A_134, %multiple_of3A_128] : memref<32x1000000xf32, #tpu.memory_space<hbm>> -> memref<32x128xf32, #tpu.memory_space<hbm>>
      %dma_start3A_136 = arith.constant 0 : i32
      %dma_start3A_137 = arith.constant 0 : i32
      %dma_start3A_138 = tpu.memref_slice %arg6[%dma_start3A_129, %dma_start3A_136, %dma_start3A_137] : memref<16x32x128xf32, #tpu.memory_space<vmem>> -> memref<1x32x128xf32, #tpu.memory_space<vmem>>
      %dma_start3A_139 = tpu.memref_squeeze %dma_start3A_138 : memref<1x32x128xf32, #tpu.memory_space<vmem>> -> memref<32x128xf32, #tpu.memory_space<vmem>>
      %dma_start3A_140 = arith.constant 0 : i32
      %dma_start3A_141 = tpu.memref_slice %arg2[%dma_start3A_140, %multiple_of3A_128] : memref<32x1000000xf32, #tpu.memory_space<hbm>> -> memref<32x128xf32, #tpu.memory_space<hbm>>
      tpu.enqueue_dma source(%dma_start3A_141 : memref<32x128xf32, #tpu.memory_space<hbm>>) target(%dma_start3A_139 : memref<32x128xf32, #tpu.memory_space<vmem>>) target_semaphore(%arg8 : memref<!tpu.dma_semaphore, #tpu.memory_space<semaphore_mem>>)
      %slice3A_142 = vector.extract_strided_slice %shift_left3A_15 {offsets = [8], sizes = [1], strides = [1]} : vector<16xi32> to vector<1xi32>
      %squeeze3A_143 = vector.extract %slice3A_142[0] : i32 from vector<1xi32>
      %multiple_of3A_144 = tpu.assume_multiple %squeeze3A_143, 128 : i32
      %dma_start3A_145 = arith.constant 8 : i32
      %dma_start3A_146 = arith.constant 0 : i32
      %dma_start3A_147 = arith.constant 0 : i32
      %dma_start3A_148 = tpu.memref_slice %arg6[%dma_start3A_145, %dma_start3A_146, %dma_start3A_147] : memref<16x32x128xf32, #tpu.memory_space<vmem>> -> memref<1x32x128xf32, #tpu.memory_space<vmem>>
      %dma_start3A_149 = tpu.memref_squeeze %dma_start3A_148 : memref<1x32x128xf32, #tpu.memory_space<vmem>> -> memref<32x128xf32, #tpu.memory_space<vmem>>
      %dma_start3A_150 = arith.constant 0 : i32
      %dma_start3A_151 = tpu.memref_slice %arg2[%dma_start3A_150, %multiple_of3A_144] : memref<32x1000000xf32, #tpu.memory_space<hbm>> -> memref<32x128xf32, #tpu.memory_space<hbm>>
      %dma_start3A_152 = arith.constant 0 : i32
      %dma_start3A_153 = arith.constant 0 : i32
      %dma_start3A_154 = tpu.memref_slice %arg6[%dma_start3A_145, %dma_start3A_152, %dma_start3A_153] : memref<16x32x128xf32, #tpu.memory_space<vmem>> -> memref<1x32x128xf32, #tpu.memory_space<vmem>>
      %dma_start3A_155 = tpu.memref_squeeze %dma_start3A_154 : memref<1x32x128xf32, #tpu.memory_space<vmem>> -> memref<32x128xf32, #tpu.memory_space<vmem>>
      %dma_start3A_156 = arith.constant 0 : i32
      %dma_start3A_157 = tpu.memref_slice %arg2[%dma_start3A_156, %multiple_of3A_144] : memref<32x1000000xf32, #tpu.memory_space<hbm>> -> memref<32x128xf32, #tpu.memory_space<hbm>>
      tpu.enqueue_dma source(%dma_start3A_157 : memref<32x128xf32, #tpu.memory_space<hbm>>) target(%dma_start3A_155 : memref<32x128xf32, #tpu.memory_space<vmem>>) target_semaphore(%arg8 : memref<!tpu.dma_semaphore, #tpu.memory_space<semaphore_mem>>)
      %slice3A_158 = vector.extract_strided_slice %shift_left3A_15 {offsets = [9], sizes = [1], strides = [1]} : vector<16xi32> to vector<1xi32>
      %squeeze3A_159 = vector.extract %slice3A_158[0] : i32 from vector<1xi32>
      %multiple_of3A_160 = tpu.assume_multiple %squeeze3A_159, 128 : i32
      %dma_start3A_161 = arith.constant 9 : i32
      %dma_start3A_162 = arith.constant 0 : i32
      %dma_start3A_163 = arith.constant 0 : i32
      %dma_start3A_164 = tpu.memref_slice %arg6[%dma_start3A_161, %dma_start3A_162, %dma_start3A_163] : memref<16x32x128xf32, #tpu.memory_space<vmem>> -> memref<1x32x128xf32, #tpu.memory_space<vmem>>
      %dma_start3A_165 = tpu.memref_squeeze %dma_start3A_164 : memref<1x32x128xf32, #tpu.memory_space<vmem>> -> memref<32x128xf32, #tpu.memory_space<vmem>>
      %dma_start3A_166 = arith.constant 0 : i32
      %dma_start3A_167 = tpu.memref_slice %arg2[%dma_start3A_166, %multiple_of3A_160] : memref<32x1000000xf32, #tpu.memory_space<hbm>> -> memref<32x128xf32, #tpu.memory_space<hbm>>
      %dma_start3A_168 = arith.constant 0 : i32
      %dma_start3A_169 = arith.constant 0 : i32
      %dma_start3A_170 = tpu.memref_slice %arg6[%dma_start3A_161, %dma_start3A_168, %dma_start3A_169] : memref<16x32x128xf32, #tpu.memory_space<vmem>> -> memref<1x32x128xf32, #tpu.memory_space<vmem>>
      %dma_start3A_171 = tpu.memref_squeeze %dma_start3A_170 : memref<1x32x128xf32, #tpu.memory_space<vmem>> -> memref<32x128xf32, #tpu.memory_space<vmem>>
      %dma_start3A_172 = arith.constant 0 : i32
      %dma_start3A_173 = tpu.memref_slice %arg2[%dma_start3A_172, %multiple_of3A_160] : memref<32x1000000xf32, #tpu.memory_space<hbm>> -> memref<32x128xf32, #tpu.memory_space<hbm>>
      tpu.enqueue_dma source(%dma_start3A_173 : memref<32x128xf32, #tpu.memory_space<hbm>>) target(%dma_start3A_171 : memref<32x128xf32, #tpu.memory_space<vmem>>) target_semaphore(%arg8 : memref<!tpu.dma_semaphore, #tpu.memory_space<semaphore_mem>>)
      %slice3A_174 = vector.extract_strided_slice %shift_left3A_15 {offsets = [10], sizes = [1], strides = [1]} : vector<16xi32> to vector<1xi32>
      %squeeze3A_175 = vector.extract %slice3A_174[0] : i32 from vector<1xi32>
      %multiple_of3A_176 = tpu.assume_multiple %squeeze3A_175, 128 : i32
      %dma_start3A_177 = arith.constant 10 : i32
      %dma_start3A_178 = arith.constant 0 : i32
      %dma_start3A_179 = arith.constant 0 : i32
      %dma_start3A_180 = tpu.memref_slice %arg6[%dma_start3A_177, %dma_start3A_178, %dma_start3A_179] : memref<16x32x128xf32, #tpu.memory_space<vmem>> -> memref<1x32x128xf32, #tpu.memory_space<vmem>>
      %dma_start3A_181 = tpu.memref_squeeze %dma_start3A_180 : memref<1x32x128xf32, #tpu.memory_space<vmem>> -> memref<32x128xf32, #tpu.memory_space<vmem>>
      %dma_start3A_182 = arith.constant 0 : i32
      %dma_start3A_183 = tpu.memref_slice %arg2[%dma_start3A_182, %multiple_of3A_176] : memref<32x1000000xf32, #tpu.memory_space<hbm>> -> memref<32x128xf32, #tpu.memory_space<hbm>>
      %dma_start3A_184 = arith.constant 0 : i32
      %dma_start3A_185 = arith.constant 0 : i32
      %dma_start3A_186 = tpu.memref_slice %arg6[%dma_start3A_177, %dma_start3A_184, %dma_start3A_185] : memref<16x32x128xf32, #tpu.memory_space<vmem>> -> memref<1x32x128xf32, #tpu.memory_space<vmem>>
      %dma_start3A_187 = tpu.memref_squeeze %dma_start3A_186 : memref<1x32x128xf32, #tpu.memory_space<vmem>> -> memref<32x128xf32, #tpu.memory_space<vmem>>
      %dma_start3A_188 = arith.constant 0 : i32
      %dma_start3A_189 = tpu.memref_slice %arg2[%dma_start3A_188, %multiple_of3A_176] : memref<32x1000000xf32, #tpu.memory_space<hbm>> -> memref<32x128xf32, #tpu.memory_space<hbm>>
      tpu.enqueue_dma source(%dma_start3A_189 : memref<32x128xf32, #tpu.memory_space<hbm>>) target(%dma_start3A_187 : memref<32x128xf32, #tpu.memory_space<vmem>>) target_semaphore(%arg8 : memref<!tpu.dma_semaphore, #tpu.memory_space<semaphore_mem>>)
      %slice3A_190 = vector.extract_strided_slice %shift_left3A_15 {offsets = [11], sizes = [1], strides = [1]} : vector<16xi32> to vector<1xi32>
      %squeeze3A_191 = vector.extract %slice3A_190[0] : i32 from vector<1xi32>
      %multiple_of3A_192 = tpu.assume_multiple %squeeze3A_191, 128 : i32
      %dma_start3A_193 = arith.constant 11 : i32
      %dma_start3A_194 = arith.constant 0 : i32
      %dma_start3A_195 = arith.constant 0 : i32
      %dma_start3A_196 = tpu.memref_slice %arg6[%dma_start3A_193, %dma_start3A_194, %dma_start3A_195] : memref<16x32x128xf32, #tpu.memory_space<vmem>> -> memref<1x32x128xf32, #tpu.memory_space<vmem>>
      %dma_start3A_197 = tpu.memref_squeeze %dma_start3A_196 : memref<1x32x128xf32, #tpu.memory_space<vmem>> -> memref<32x128xf32, #tpu.memory_space<vmem>>
      %dma_start3A_198 = arith.constant 0 : i32
      %dma_start3A_199 = tpu.memref_slice %arg2[%dma_start3A_198, %multiple_of3A_192] : memref<32x1000000xf32, #tpu.memory_space<hbm>> -> memref<32x128xf32, #tpu.memory_space<hbm>>
      %dma_start3A_200 = arith.constant 0 : i32
      %dma_start3A_201 = arith.constant 0 : i32
      %dma_start3A_202 = tpu.memref_slice %arg6[%dma_start3A_193, %dma_start3A_200, %dma_start3A_201] : memref<16x32x128xf32, #tpu.memory_space<vmem>> -> memref<1x32x128xf32, #tpu.memory_space<vmem>>
      %dma_start3A_203 = tpu.memref_squeeze %dma_start3A_202 : memref<1x32x128xf32, #tpu.memory_space<vmem>> -> memref<32x128xf32, #tpu.memory_space<vmem>>
      %dma_start3A_204 = arith.constant 0 : i32
      %dma_start3A_205 = tpu.memref_slice %arg2[%dma_start3A_204, %multiple_of3A_192] : memref<32x1000000xf32, #tpu.memory_space<hbm>> -> memref<32x128xf32, #tpu.memory_space<hbm>>
      tpu.enqueue_dma source(%dma_start3A_205 : memref<32x128xf32, #tpu.memory_space<hbm>>) target(%dma_start3A_203 : memref<32x128xf32, #tpu.memory_space<vmem>>) target_semaphore(%arg8 : memref<!tpu.dma_semaphore, #tpu.memory_space<semaphore_mem>>)
      %slice3A_206 = vector.extract_strided_slice %shift_left3A_15 {offsets = [12], sizes = [1], strides = [1]} : vector<16xi32> to vector<1xi32>
      %squeeze3A_207 = vector.extract %slice3A_206[0] : i32 from vector<1xi32>
      %multiple_of3A_208 = tpu.assume_multiple %squeeze3A_207, 128 : i32
      %dma_start3A_209 = arith.constant 12 : i32
      %dma_start3A_210 = arith.constant 0 : i32
      %dma_start3A_211 = arith.constant 0 : i32
      %dma_start3A_212 = tpu.memref_slice %arg6[%dma_start3A_209, %dma_start3A_210, %dma_start3A_211] : memref<16x32x128xf32, #tpu.memory_space<vmem>> -> memref<1x32x128xf32, #tpu.memory_space<vmem>>
      %dma_start3A_213 = tpu.memref_squeeze %dma_start3A_212 : memref<1x32x128xf32, #tpu.memory_space<vmem>> -> memref<32x128xf32, #tpu.memory_space<vmem>>
      %dma_start3A_214 = arith.constant 0 : i32
      %dma_start3A_215 = tpu.memref_slice %arg2[%dma_start3A_214, %multiple_of3A_208] : memref<32x1000000xf32, #tpu.memory_space<hbm>> -> memref<32x128xf32, #tpu.memory_space<hbm>>
      %dma_start3A_216 = arith.constant 0 : i32
      %dma_start3A_217 = arith.constant 0 : i32
      %dma_start3A_218 = tpu.memref_slice %arg6[%dma_start3A_209, %dma_start3A_216, %dma_start3A_217] : memref<16x32x128xf32, #tpu.memory_space<vmem>> -> memref<1x32x128xf32, #tpu.memory_space<vmem>>
      %dma_start3A_219 = tpu.memref_squeeze %dma_start3A_218 : memref<1x32x128xf32, #tpu.memory_space<vmem>> -> memref<32x128xf32, #tpu.memory_space<vmem>>
      %dma_start3A_220 = arith.constant 0 : i32
      %dma_start3A_221 = tpu.memref_slice %arg2[%dma_start3A_220, %multiple_of3A_208] : memref<32x1000000xf32, #tpu.memory_space<hbm>> -> memref<32x128xf32, #tpu.memory_space<hbm>>
      tpu.enqueue_dma source(%dma_start3A_221 : memref<32x128xf32, #tpu.memory_space<hbm>>) target(%dma_start3A_219 : memref<32x128xf32, #tpu.memory_space<vmem>>) target_semaphore(%arg8 : memref<!tpu.dma_semaphore, #tpu.memory_space<semaphore_mem>>)
      %slice3A_222 = vector.extract_strided_slice %shift_left3A_15 {offsets = [13], sizes = [1], strides = [1]} : vector<16xi32> to vector<1xi32>
      %squeeze3A_223 = vector.extract %slice3A_222[0] : i32 from vector<1xi32>
      %multiple_of3A_224 = tpu.assume_multiple %squeeze3A_223, 128 : i32
      %dma_start3A_225 = arith.constant 13 : i32
      %dma_start3A_226 = arith.constant 0 : i32
      %dma_start3A_227 = arith.constant 0 : i32
      %dma_start3A_228 = tpu.memref_slice %arg6[%dma_start3A_225, %dma_start3A_226, %dma_start3A_227] : memref<16x32x128xf32, #tpu.memory_space<vmem>> -> memref<1x32x128xf32, #tpu.memory_space<vmem>>
      %dma_start3A_229 = tpu.memref_squeeze %dma_start3A_228 : memref<1x32x128xf32, #tpu.memory_space<vmem>> -> memref<32x128xf32, #tpu.memory_space<vmem>>
      %dma_start3A_230 = arith.constant 0 : i32
      %dma_start3A_231 = tpu.memref_slice %arg2[%dma_start3A_230, %multiple_of3A_224] : memref<32x1000000xf32, #tpu.memory_space<hbm>> -> memref<32x128xf32, #tpu.memory_space<hbm>>
      %dma_start3A_232 = arith.constant 0 : i32
      %dma_start3A_233 = arith.constant 0 : i32
      %dma_start3A_234 = tpu.memref_slice %arg6[%dma_start3A_225, %dma_start3A_232, %dma_start3A_233] : memref<16x32x128xf32, #tpu.memory_space<vmem>> -> memref<1x32x128xf32, #tpu.memory_space<vmem>>
      %dma_start3A_235 = tpu.memref_squeeze %dma_start3A_234 : memref<1x32x128xf32, #tpu.memory_space<vmem>> -> memref<32x128xf32, #tpu.memory_space<vmem>>
      %dma_start3A_236 = arith.constant 0 : i32
      %dma_start3A_237 = tpu.memref_slice %arg2[%dma_start3A_236, %multiple_of3A_224] : memref<32x1000000xf32, #tpu.memory_space<hbm>> -> memref<32x128xf32, #tpu.memory_space<hbm>>
      tpu.enqueue_dma source(%dma_start3A_237 : memref<32x128xf32, #tpu.memory_space<hbm>>) target(%dma_start3A_235 : memref<32x128xf32, #tpu.memory_space<vmem>>) target_semaphore(%arg8 : memref<!tpu.dma_semaphore, #tpu.memory_space<semaphore_mem>>)
      %slice3A_238 = vector.extract_strided_slice %shift_left3A_15 {offsets = [14], sizes = [1], strides = [1]} : vector<16xi32> to vector<1xi32>
      %squeeze3A_239 = vector.extract %slice3A_238[0] : i32 from vector<1xi32>
      %multiple_of3A_240 = tpu.assume_multiple %squeeze3A_239, 128 : i32
      %dma_start3A_241 = arith.constant 14 : i32
      %dma_start3A_242 = arith.constant 0 : i32
      %dma_start3A_243 = arith.constant 0 : i32
      %dma_start3A_244 = tpu.memref_slice %arg6[%dma_start3A_241, %dma_start3A_242, %dma_start3A_243] : memref<16x32x128xf32, #tpu.memory_space<vmem>> -> memref<1x32x128xf32, #tpu.memory_space<vmem>>
      %dma_start3A_245 = tpu.memref_squeeze %dma_start3A_244 : memref<1x32x128xf32, #tpu.memory_space<vmem>> -> memref<32x128xf32, #tpu.memory_space<vmem>>
      %dma_start3A_246 = arith.constant 0 : i32
      %dma_start3A_247 = tpu.memref_slice %arg2[%dma_start3A_246, %multiple_of3A_240] : memref<32x1000000xf32, #tpu.memory_space<hbm>> -> memref<32x128xf32, #tpu.memory_space<hbm>>
      %dma_start3A_248 = arith.constant 0 : i32
      %dma_start3A_249 = arith.constant 0 : i32
      %dma_start3A_250 = tpu.memref_slice %arg6[%dma_start3A_241, %dma_start3A_248, %dma_start3A_249] : memref<16x32x128xf32, #tpu.memory_space<vmem>> -> memref<1x32x128xf32, #tpu.memory_space<vmem>>
      %dma_start3A_251 = tpu.memref_squeeze %dma_start3A_250 : memref<1x32x128xf32, #tpu.memory_space<vmem>> -> memref<32x128xf32, #tpu.memory_space<vmem>>
      %dma_start3A_252 = arith.constant 0 : i32
      %dma_start3A_253 = tpu.memref_slice %arg2[%dma_start3A_252, %multiple_of3A_240] : memref<32x1000000xf32, #tpu.memory_space<hbm>> -> memref<32x128xf32, #tpu.memory_space<hbm>>
      tpu.enqueue_dma source(%dma_start3A_253 : memref<32x128xf32, #tpu.memory_space<hbm>>) target(%dma_start3A_251 : memref<32x128xf32, #tpu.memory_space<vmem>>) target_semaphore(%arg8 : memref<!tpu.dma_semaphore, #tpu.memory_space<semaphore_mem>>)
      %slice3A_254 = vector.extract_strided_slice %shift_left3A_15 {offsets = [15], sizes = [1], strides = [1]} : vector<16xi32> to vector<1xi32>
      %squeeze3A_255 = vector.extract %slice3A_254[0] : i32 from vector<1xi32>
      %multiple_of3A_256 = tpu.assume_multiple %squeeze3A_255, 128 : i32
      %dma_start3A_257 = arith.constant 15 : i32
      %dma_start3A_258 = arith.constant 0 : i32
      %dma_start3A_259 = arith.constant 0 : i32
      %dma_start3A_260 = tpu.memref_slice %arg6[%dma_start3A_257, %dma_start3A_258, %dma_start3A_259] : memref<16x32x128xf32, #tpu.memory_space<vmem>> -> memref<1x32x128xf32, #tpu.memory_space<vmem>>
      %dma_start3A_261 = tpu.memref_squeeze %dma_start3A_260 : memref<1x32x128xf32, #tpu.memory_space<vmem>> -> memref<32x128xf32, #tpu.memory_space<vmem>>
      %dma_start3A_262 = arith.constant 0 : i32
      %dma_start3A_263 = tpu.memref_slice %arg2[%dma_start3A_262, %multiple_of3A_256] : memref<32x1000000xf32, #tpu.memory_space<hbm>> -> memref<32x128xf32, #tpu.memory_space<hbm>>
      %dma_start3A_264 = arith.constant 0 : i32
      %dma_start3A_265 = arith.constant 0 : i32
      %dma_start3A_266 = tpu.memref_slice %arg6[%dma_start3A_257, %dma_start3A_264, %dma_start3A_265] : memref<16x32x128xf32, #tpu.memory_space<vmem>> -> memref<1x32x128xf32, #tpu.memory_space<vmem>>
      %dma_start3A_267 = tpu.memref_squeeze %dma_start3A_266 : memref<1x32x128xf32, #tpu.memory_space<vmem>> -> memref<32x128xf32, #tpu.memory_space<vmem>>
      %dma_start3A_268 = arith.constant 0 : i32
      %dma_start3A_269 = tpu.memref_slice %arg2[%dma_start3A_268, %multiple_of3A_256] : memref<32x1000000xf32, #tpu.memory_space<hbm>> -> memref<32x128xf32, #tpu.memory_space<hbm>>
      tpu.enqueue_dma source(%dma_start3A_269 : memref<32x128xf32, #tpu.memory_space<hbm>>) target(%dma_start3A_267 : memref<32x128xf32, #tpu.memory_space<vmem>>) target_semaphore(%arg8 : memref<!tpu.dma_semaphore, #tpu.memory_space<semaphore_mem>>)
      %dma_wait3A = arith.constant 0 : i32
      %dma_wait3A_270 = arith.constant 0 : i32
      %dma_wait3A_271 = arith.constant 0 : i32
      %dma_wait3A_272 = tpu.memref_slice %arg6[%dma_wait3A, %dma_wait3A_270, %dma_wait3A_271] : memref<16x32x128xf32, #tpu.memory_space<vmem>> -> memref<1x32x128xf32, #tpu.memory_space<vmem>>
      %dma_wait3A_273 = tpu.memref_squeeze %dma_wait3A_272 : memref<1x32x128xf32, #tpu.memory_space<vmem>> -> memref<32x128xf32, #tpu.memory_space<vmem>>
      %dma_wait3A_274 = arith.constant 0 : i32
      %dma_wait3A_275 = arith.constant 0 : i32
      %dma_wait3A_276 = tpu.memref_slice %arg2[%dma_wait3A_274, %dma_wait3A_275] : memref<32x1000000xf32, #tpu.memory_space<hbm>> -> memref<32x128xf32, #tpu.memory_space<hbm>>
      %dma_wait3A_277 = arith.constant 0 : i32
      %dma_wait3A_278 = arith.constant 0 : i32
      %dma_wait3A_279 = tpu.memref_slice %arg6[%dma_wait3A, %dma_wait3A_277, %dma_wait3A_278] : memref<16x32x128xf32, #tpu.memory_space<vmem>> -> memref<1x32x128xf32, #tpu.memory_space<vmem>>
      %dma_wait3A_280 = tpu.memref_squeeze %dma_wait3A_279 : memref<1x32x128xf32, #tpu.memory_space<vmem>> -> memref<32x128xf32, #tpu.memory_space<vmem>>
      %dma_wait3A_281 = arith.constant 0 : i32
      %dma_wait3A_282 = arith.constant 0 : i32
      %dma_wait3A_283 = tpu.memref_slice %arg2[%dma_wait3A_281, %dma_wait3A_282] : memref<32x1000000xf32, #tpu.memory_space<hbm>> -> memref<32x128xf32, #tpu.memory_space<hbm>>
      tpu.wait_dma2 semaphore(%arg8 : memref<!tpu.dma_semaphore, #tpu.memory_space<semaphore_mem>>) src(%dma_wait3A_283 : memref<32x128xf32, #tpu.memory_space<hbm>>) dst(%dma_wait3A_280 : memref<32x128xf32, #tpu.memory_space<vmem>>)
      %dma_wait3A_284 = arith.constant 0 : i32
      %dma_wait3A_285 = arith.constant 0 : i32
      %dma_wait3A_286 = arith.constant 0 : i32
      %dma_wait3A_287 = tpu.memref_slice %arg6[%dma_wait3A_284, %dma_wait3A_285, %dma_wait3A_286] : memref<16x32x128xf32, #tpu.memory_space<vmem>> -> memref<1x32x128xf32, #tpu.memory_space<vmem>>
      %dma_wait3A_288 = tpu.memref_squeeze %dma_wait3A_287 : memref<1x32x128xf32, #tpu.memory_space<vmem>> -> memref<32x128xf32, #tpu.memory_space<vmem>>
      %dma_wait3A_289 = arith.constant 0 : i32
      %dma_wait3A_290 = arith.constant 0 : i32
      %dma_wait3A_291 = tpu.memref_slice %arg2[%dma_wait3A_289, %dma_wait3A_290] : memref<32x1000000xf32, #tpu.memory_space<hbm>> -> memref<32x128xf32, #tpu.memory_space<hbm>>
      %dma_wait3A_292 = arith.constant 0 : i32
      %dma_wait3A_293 = arith.constant 0 : i32
      %dma_wait3A_294 = tpu.memref_slice %arg6[%dma_wait3A_284, %dma_wait3A_292, %dma_wait3A_293] : memref<16x32x128xf32, #tpu.memory_space<vmem>> -> memref<1x32x128xf32, #tpu.memory_space<vmem>>
      %dma_wait3A_295 = tpu.memref_squeeze %dma_wait3A_294 : memref<1x32x128xf32, #tpu.memory_space<vmem>> -> memref<32x128xf32, #tpu.memory_space<vmem>>
      %dma_wait3A_296 = arith.constant 0 : i32
      %dma_wait3A_297 = arith.constant 0 : i32
      %dma_wait3A_298 = tpu.memref_slice %arg2[%dma_wait3A_296, %dma_wait3A_297] : memref<32x1000000xf32, #tpu.memory_space<hbm>> -> memref<32x128xf32, #tpu.memory_space<hbm>>
      tpu.wait_dma2 semaphore(%arg8 : memref<!tpu.dma_semaphore, #tpu.memory_space<semaphore_mem>>) src(%dma_wait3A_298 : memref<32x128xf32, #tpu.memory_space<hbm>>) dst(%dma_wait3A_295 : memref<32x128xf32, #tpu.memory_space<vmem>>)
      %dma_wait3A_299 = arith.constant 0 : i32
      %dma_wait3A_300 = arith.constant 0 : i32
      %dma_wait3A_301 = arith.constant 0 : i32
      %dma_wait3A_302 = tpu.memref_slice %arg6[%dma_wait3A_299, %dma_wait3A_300, %dma_wait3A_301] : memref<16x32x128xf32, #tpu.memory_space<vmem>> -> memref<1x32x128xf32, #tpu.memory_space<vmem>>
      %dma_wait3A_303 = tpu.memref_squeeze %dma_wait3A_302 : memref<1x32x128xf32, #tpu.memory_space<vmem>> -> memref<32x128xf32, #tpu.memory_space<vmem>>
      %dma_wait3A_304 = arith.constant 0 : i32
      %dma_wait3A_305 = arith.constant 0 : i32
      %dma_wait3A_306 = tpu.memref_slice %arg2[%dma_wait3A_304, %dma_wait3A_305] : memref<32x1000000xf32, #tpu.memory_space<hbm>> -> memref<32x128xf32, #tpu.memory_space<hbm>>
      %dma_wait3A_307 = arith.constant 0 : i32
      %dma_wait3A_308 = arith.constant 0 : i32
      %dma_wait3A_309 = tpu.memref_slice %arg6[%dma_wait3A_299, %dma_wait3A_307, %dma_wait3A_308] : memref<16x32x128xf32, #tpu.memory_space<vmem>> -> memref<1x32x128xf32, #tpu.memory_space<vmem>>
      %dma_wait3A_310 = tpu.memref_squeeze %dma_wait3A_309 : memref<1x32x128xf32, #tpu.memory_space<vmem>> -> memref<32x128xf32, #tpu.memory_space<vmem>>
      %dma_wait3A_311 = arith.constant 0 : i32
      %dma_wait3A_312 = arith.constant 0 : i32
      %dma_wait3A_313 = tpu.memref_slice %arg2[%dma_wait3A_311, %dma_wait3A_312] : memref<32x1000000xf32, #tpu.memory_space<hbm>> -> memref<32x128xf32, #tpu.memory_space<hbm>>
      tpu.wait_dma2 semaphore(%arg8 : memref<!tpu.dma_semaphore, #tpu.memory_space<semaphore_mem>>) src(%dma_wait3A_313 : memref<32x128xf32, #tpu.memory_space<hbm>>) dst(%dma_wait3A_310 : memref<32x128xf32, #tpu.memory_space<vmem>>)
      %dma_wait3A_314 = arith.constant 0 : i32
      %dma_wait3A_315 = arith.constant 0 : i32
      %dma_wait3A_316 = arith.constant 0 : i32
      %dma_wait3A_317 = tpu.memref_slice %arg6[%dma_wait3A_314, %dma_wait3A_315, %dma_wait3A_316] : memref<16x32x128xf32, #tpu.memory_space<vmem>> -> memref<1x32x128xf32, #tpu.memory_space<vmem>>
      %dma_wait3A_318 = tpu.memref_squeeze %dma_wait3A_317 : memref<1x32x128xf32, #tpu.memory_space<vmem>> -> memref<32x128xf32, #tpu.memory_space<vmem>>
      %dma_wait3A_319 = arith.constant 0 : i32
      %dma_wait3A_320 = arith.constant 0 : i32
      %dma_wait3A_321 = tpu.memref_slice %arg2[%dma_wait3A_319, %dma_wait3A_320] : memref<32x1000000xf32, #tpu.memory_space<hbm>> -> memref<32x128xf32, #tpu.memory_space<hbm>>
      %dma_wait3A_322 = arith.constant 0 : i32
      %dma_wait3A_323 = arith.constant 0 : i32
      %dma_wait3A_324 = tpu.memref_slice %arg6[%dma_wait3A_314, %dma_wait3A_322, %dma_wait3A_323] : memref<16x32x128xf32, #tpu.memory_space<vmem>> -> memref<1x32x128xf32, #tpu.memory_space<vmem>>
      %dma_wait3A_325 = tpu.memref_squeeze %dma_wait3A_324 : memref<1x32x128xf32, #tpu.memory_space<vmem>> -> memref<32x128xf32, #tpu.memory_space<vmem>>
      %dma_wait3A_326 = arith.constant 0 : i32
      %dma_wait3A_327 = arith.constant 0 : i32
      %dma_wait3A_328 = tpu.memref_slice %arg2[%dma_wait3A_326, %dma_wait3A_327] : memref<32x1000000xf32, #tpu.memory_space<hbm>> -> memref<32x128xf32, #tpu.memory_space<hbm>>
      tpu.wait_dma2 semaphore(%arg8 : memref<!tpu.dma_semaphore, #tpu.memory_space<semaphore_mem>>) src(%dma_wait3A_328 : memref<32x128xf32, #tpu.memory_space<hbm>>) dst(%dma_wait3A_325 : memref<32x128xf32, #tpu.memory_space<vmem>>)
      %dma_wait3A_329 = arith.constant 0 : i32
      %dma_wait3A_330 = arith.constant 0 : i32
      %dma_wait3A_331 = arith.constant 0 : i32
      %dma_wait3A_332 = tpu.memref_slice %arg6[%dma_wait3A_329, %dma_wait3A_330, %dma_wait3A_331] : memref<16x32x128xf32, #tpu.memory_space<vmem>> -> memref<1x32x128xf32, #tpu.memory_space<vmem>>
      %dma_wait3A_333 = tpu.memref_squeeze %dma_wait3A_332 : memref<1x32x128xf32, #tpu.memory_space<vmem>> -> memref<32x128xf32, #tpu.memory_space<vmem>>
      %dma_wait3A_334 = arith.constant 0 : i32
      %dma_wait3A_335 = arith.constant 0 : i32
      %dma_wait3A_336 = tpu.memref_slice %arg2[%dma_wait3A_334, %dma_wait3A_335] : memref<32x1000000xf32, #tpu.memory_space<hbm>> -> memref<32x128xf32, #tpu.memory_space<hbm>>
      %dma_wait3A_337 = arith.constant 0 : i32
      %dma_wait3A_338 = arith.constant 0 : i32
      %dma_wait3A_339 = tpu.memref_slice %arg6[%dma_wait3A_329, %dma_wait3A_337, %dma_wait3A_338] : memref<16x32x128xf32, #tpu.memory_space<vmem>> -> memref<1x32x128xf32, #tpu.memory_space<vmem>>
      %dma_wait3A_340 = tpu.memref_squeeze %dma_wait3A_339 : memref<1x32x128xf32, #tpu.memory_space<vmem>> -> memref<32x128xf32, #tpu.memory_space<vmem>>
      %dma_wait3A_341 = arith.constant 0 : i32
      %dma_wait3A_342 = arith.constant 0 : i32
      %dma_wait3A_343 = tpu.memref_slice %arg2[%dma_wait3A_341, %dma_wait3A_342] : memref<32x1000000xf32, #tpu.memory_space<hbm>> -> memref<32x128xf32, #tpu.memory_space<hbm>>
      tpu.wait_dma2 semaphore(%arg8 : memref<!tpu.dma_semaphore, #tpu.memory_space<semaphore_mem>>) src(%dma_wait3A_343 : memref<32x128xf32, #tpu.memory_space<hbm>>) dst(%dma_wait3A_340 : memref<32x128xf32, #tpu.memory_space<vmem>>)
      %dma_wait3A_344 = arith.constant 0 : i32
      %dma_wait3A_345 = arith.constant 0 : i32
      %dma_wait3A_346 = arith.constant 0 : i32
      %dma_wait3A_347 = tpu.memref_slice %arg6[%dma_wait3A_344, %dma_wait3A_345, %dma_wait3A_346] : memref<16x32x128xf32, #tpu.memory_space<vmem>> -> memref<1x32x128xf32, #tpu.memory_space<vmem>>
      %dma_wait3A_348 = tpu.memref_squeeze %dma_wait3A_347 : memref<1x32x128xf32, #tpu.memory_space<vmem>> -> memref<32x128xf32, #tpu.memory_space<vmem>>
      %dma_wait3A_349 = arith.constant 0 : i32
      %dma_wait3A_350 = arith.constant 0 : i32
      %dma_wait3A_351 = tpu.memref_slice %arg2[%dma_wait3A_349, %dma_wait3A_350] : memref<32x1000000xf32, #tpu.memory_space<hbm>> -> memref<32x128xf32, #tpu.memory_space<hbm>>
      %dma_wait3A_352 = arith.constant 0 : i32
      %dma_wait3A_353 = arith.constant 0 : i32
      %dma_wait3A_354 = tpu.memref_slice %arg6[%dma_wait3A_344, %dma_wait3A_352, %dma_wait3A_353] : memref<16x32x128xf32, #tpu.memory_space<vmem>> -> memref<1x32x128xf32, #tpu.memory_space<vmem>>
      %dma_wait3A_355 = tpu.memref_squeeze %dma_wait3A_354 : memref<1x32x128xf32, #tpu.memory_space<vmem>> -> memref<32x128xf32, #tpu.memory_space<vmem>>
      %dma_wait3A_356 = arith.constant 0 : i32
      %dma_wait3A_357 = arith.constant 0 : i32
      %dma_wait3A_358 = tpu.memref_slice %arg2[%dma_wait3A_356, %dma_wait3A_357] : memref<32x1000000xf32, #tpu.memory_space<hbm>> -> memref<32x128xf32, #tpu.memory_space<hbm>>
      tpu.wait_dma2 semaphore(%arg8 : memref<!tpu.dma_semaphore, #tpu.memory_space<semaphore_mem>>) src(%dma_wait3A_358 : memref<32x128xf32, #tpu.memory_space<hbm>>) dst(%dma_wait3A_355 : memref<32x128xf32, #tpu.memory_space<vmem>>)
      %dma_wait3A_359 = arith.constant 0 : i32
      %dma_wait3A_360 = arith.constant 0 : i32
      %dma_wait3A_361 = arith.constant 0 : i32
      %dma_wait3A_362 = tpu.memref_slice %arg6[%dma_wait3A_359, %dma_wait3A_360, %dma_wait3A_361] : memref<16x32x128xf32, #tpu.memory_space<vmem>> -> memref<1x32x128xf32, #tpu.memory_space<vmem>>
      %dma_wait3A_363 = tpu.memref_squeeze %dma_wait3A_362 : memref<1x32x128xf32, #tpu.memory_space<vmem>> -> memref<32x128xf32, #tpu.memory_space<vmem>>
      %dma_wait3A_364 = arith.constant 0 : i32
      %dma_wait3A_365 = arith.constant 0 : i32
      %dma_wait3A_366 = tpu.memref_slice %arg2[%dma_wait3A_364, %dma_wait3A_365] : memref<32x1000000xf32, #tpu.memory_space<hbm>> -> memref<32x128xf32, #tpu.memory_space<hbm>>
      %dma_wait3A_367 = arith.constant 0 : i32
      %dma_wait3A_368 = arith.constant 0 : i32
      %dma_wait3A_369 = tpu.memref_slice %arg6[%dma_wait3A_359, %dma_wait3A_367, %dma_wait3A_368] : memref<16x32x128xf32, #tpu.memory_space<vmem>> -> memref<1x32x128xf32, #tpu.memory_space<vmem>>
      %dma_wait3A_370 = tpu.memref_squeeze %dma_wait3A_369 : memref<1x32x128xf32, #tpu.memory_space<vmem>> -> memref<32x128xf32, #tpu.memory_space<vmem>>
      %dma_wait3A_371 = arith.constant 0 : i32
      %dma_wait3A_372 = arith.constant 0 : i32
      %dma_wait3A_373 = tpu.memref_slice %arg2[%dma_wait3A_371, %dma_wait3A_372] : memref<32x1000000xf32, #tpu.memory_space<hbm>> -> memref<32x128xf32, #tpu.memory_space<hbm>>
      tpu.wait_dma2 semaphore(%arg8 : memref<!tpu.dma_semaphore, #tpu.memory_space<semaphore_mem>>) src(%dma_wait3A_373 : memref<32x128xf32, #tpu.memory_space<hbm>>) dst(%dma_wait3A_370 : memref<32x128xf32, #tpu.memory_space<vmem>>)
      %dma_wait3A_374 = arith.constant 0 : i32
      %dma_wait3A_375 = arith.constant 0 : i32
      %dma_wait3A_376 = arith.constant 0 : i32
      %dma_wait3A_377 = tpu.memref_slice %arg6[%dma_wait3A_374, %dma_wait3A_375, %dma_wait3A_376] : memref<16x32x128xf32, #tpu.memory_space<vmem>> -> memref<1x32x128xf32, #tpu.memory_space<vmem>>
      %dma_wait3A_378 = tpu.memref_squeeze %dma_wait3A_377 : memref<1x32x128xf32, #tpu.memory_space<vmem>> -> memref<32x128xf32, #tpu.memory_space<vmem>>
      %dma_wait3A_379 = arith.constant 0 : i32
      %dma_wait3A_380 = arith.constant 0 : i32
      %dma_wait3A_381 = tpu.memref_slice %arg2[%dma_wait3A_379, %dma_wait3A_380] : memref<32x1000000xf32, #tpu.memory_space<hbm>> -> memref<32x128xf32, #tpu.memory_space<hbm>>
      %dma_wait3A_382 = arith.constant 0 : i32
      %dma_wait3A_383 = arith.constant 0 : i32
      %dma_wait3A_384 = tpu.memref_slice %arg6[%dma_wait3A_374, %dma_wait3A_382, %dma_wait3A_383] : memref<16x32x128xf32, #tpu.memory_space<vmem>> -> memref<1x32x128xf32, #tpu.memory_space<vmem>>
      %dma_wait3A_385 = tpu.memref_squeeze %dma_wait3A_384 : memref<1x32x128xf32, #tpu.memory_space<vmem>> -> memref<32x128xf32, #tpu.memory_space<vmem>>
      %dma_wait3A_386 = arith.constant 0 : i32
      %dma_wait3A_387 = arith.constant 0 : i32
      %dma_wait3A_388 = tpu.memref_slice %arg2[%dma_wait3A_386, %dma_wait3A_387] : memref<32x1000000xf32, #tpu.memory_space<hbm>> -> memref<32x128xf32, #tpu.memory_space<hbm>>
      tpu.wait_dma2 semaphore(%arg8 : memref<!tpu.dma_semaphore, #tpu.memory_space<semaphore_mem>>) src(%dma_wait3A_388 : memref<32x128xf32, #tpu.memory_space<hbm>>) dst(%dma_wait3A_385 : memref<32x128xf32, #tpu.memory_space<vmem>>)
      %dma_wait3A_389 = arith.constant 0 : i32
      %dma_wait3A_390 = arith.constant 0 : i32
      %dma_wait3A_391 = arith.constant 0 : i32
      %dma_wait3A_392 = tpu.memref_slice %arg6[%dma_wait3A_389, %dma_wait3A_390, %dma_wait3A_391] : memref<16x32x128xf32, #tpu.memory_space<vmem>> -> memref<1x32x128xf32, #tpu.memory_space<vmem>>
      %dma_wait3A_393 = tpu.memref_squeeze %dma_wait3A_392 : memref<1x32x128xf32, #tpu.memory_space<vmem>> -> memref<32x128xf32, #tpu.memory_space<vmem>>
      %dma_wait3A_394 = arith.constant 0 : i32
      %dma_wait3A_395 = arith.constant 0 : i32
      %dma_wait3A_396 = tpu.memref_slice %arg2[%dma_wait3A_394, %dma_wait3A_395] : memref<32x1000000xf32, #tpu.memory_space<hbm>> -> memref<32x128xf32, #tpu.memory_space<hbm>>
      %dma_wait3A_397 = arith.constant 0 : i32
      %dma_wait3A_398 = arith.constant 0 : i32
      %dma_wait3A_399 = tpu.memref_slice %arg6[%dma_wait3A_389, %dma_wait3A_397, %dma_wait3A_398] : memref<16x32x128xf32, #tpu.memory_space<vmem>> -> memref<1x32x128xf32, #tpu.memory_space<vmem>>
      %dma_wait3A_400 = tpu.memref_squeeze %dma_wait3A_399 : memref<1x32x128xf32, #tpu.memory_space<vmem>> -> memref<32x128xf32, #tpu.memory_space<vmem>>
      %dma_wait3A_401 = arith.constant 0 : i32
      %dma_wait3A_402 = arith.constant 0 : i32
      %dma_wait3A_403 = tpu.memref_slice %arg2[%dma_wait3A_401, %dma_wait3A_402] : memref<32x1000000xf32, #tpu.memory_space<hbm>> -> memref<32x128xf32, #tpu.memory_space<hbm>>
      tpu.wait_dma2 semaphore(%arg8 : memref<!tpu.dma_semaphore, #tpu.memory_space<semaphore_mem>>) src(%dma_wait3A_403 : memref<32x128xf32, #tpu.memory_space<hbm>>) dst(%dma_wait3A_400 : memref<32x128xf32, #tpu.memory_space<vmem>>)
      %dma_wait3A_404 = arith.constant 0 : i32
      %dma_wait3A_405 = arith.constant 0 : i32
      %dma_wait3A_406 = arith.constant 0 : i32
      %dma_wait3A_407 = tpu.memref_slice %arg6[%dma_wait3A_404, %dma_wait3A_405, %dma_wait3A_406] : memref<16x32x128xf32, #tpu.memory_space<vmem>> -> memref<1x32x128xf32, #tpu.memory_space<vmem>>
      %dma_wait3A_408 = tpu.memref_squeeze %dma_wait3A_407 : memref<1x32x128xf32, #tpu.memory_space<vmem>> -> memref<32x128xf32, #tpu.memory_space<vmem>>
      %dma_wait3A_409 = arith.constant 0 : i32
      %dma_wait3A_410 = arith.constant 0 : i32
      %dma_wait3A_411 = tpu.memref_slice %arg2[%dma_wait3A_409, %dma_wait3A_410] : memref<32x1000000xf32, #tpu.memory_space<hbm>> -> memref<32x128xf32, #tpu.memory_space<hbm>>
      %dma_wait3A_412 = arith.constant 0 : i32
      %dma_wait3A_413 = arith.constant 0 : i32
      %dma_wait3A_414 = tpu.memref_slice %arg6[%dma_wait3A_404, %dma_wait3A_412, %dma_wait3A_413] : memref<16x32x128xf32, #tpu.memory_space<vmem>> -> memref<1x32x128xf32, #tpu.memory_space<vmem>>
      %dma_wait3A_415 = tpu.memref_squeeze %dma_wait3A_414 : memref<1x32x128xf32, #tpu.memory_space<vmem>> -> memref<32x128xf32, #tpu.memory_space<vmem>>
      %dma_wait3A_416 = arith.constant 0 : i32
      %dma_wait3A_417 = arith.constant 0 : i32
      %dma_wait3A_418 = tpu.memref_slice %arg2[%dma_wait3A_416, %dma_wait3A_417] : memref<32x1000000xf32, #tpu.memory_space<hbm>> -> memref<32x128xf32, #tpu.memory_space<hbm>>
      tpu.wait_dma2 semaphore(%arg8 : memref<!tpu.dma_semaphore, #tpu.memory_space<semaphore_mem>>) src(%dma_wait3A_418 : memref<32x128xf32, #tpu.memory_space<hbm>>) dst(%dma_wait3A_415 : memref<32x128xf32, #tpu.memory_space<vmem>>)
      %dma_wait3A_419 = arith.constant 0 : i32
      %dma_wait3A_420 = arith.constant 0 : i32
      %dma_wait3A_421 = arith.constant 0 : i32
      %dma_wait3A_422 = tpu.memref_slice %arg6[%dma_wait3A_419, %dma_wait3A_420, %dma_wait3A_421] : memref<16x32x128xf32, #tpu.memory_space<vmem>> -> memref<1x32x128xf32, #tpu.memory_space<vmem>>
      %dma_wait3A_423 = tpu.memref_squeeze %dma_wait3A_422 : memref<1x32x128xf32, #tpu.memory_space<vmem>> -> memref<32x128xf32, #tpu.memory_space<vmem>>
      %dma_wait3A_424 = arith.constant 0 : i32
      %dma_wait3A_425 = arith.constant 0 : i32
      %dma_wait3A_426 = tpu.memref_slice %arg2[%dma_wait3A_424, %dma_wait3A_425] : memref<32x1000000xf32, #tpu.memory_space<hbm>> -> memref<32x128xf32, #tpu.memory_space<hbm>>
      %dma_wait3A_427 = arith.constant 0 : i32
      %dma_wait3A_428 = arith.constant 0 : i32
      %dma_wait3A_429 = tpu.memref_slice %arg6[%dma_wait3A_419, %dma_wait3A_427, %dma_wait3A_428] : memref<16x32x128xf32, #tpu.memory_space<vmem>> -> memref<1x32x128xf32, #tpu.memory_space<vmem>>
      %dma_wait3A_430 = tpu.memref_squeeze %dma_wait3A_429 : memref<1x32x128xf32, #tpu.memory_space<vmem>> -> memref<32x128xf32, #tpu.memory_space<vmem>>
      %dma_wait3A_431 = arith.constant 0 : i32
      %dma_wait3A_432 = arith.constant 0 : i32
      %dma_wait3A_433 = tpu.memref_slice %arg2[%dma_wait3A_431, %dma_wait3A_432] : memref<32x1000000xf32, #tpu.memory_space<hbm>> -> memref<32x128xf32, #tpu.memory_space<hbm>>
      tpu.wait_dma2 semaphore(%arg8 : memref<!tpu.dma_semaphore, #tpu.memory_space<semaphore_mem>>) src(%dma_wait3A_433 : memref<32x128xf32, #tpu.memory_space<hbm>>) dst(%dma_wait3A_430 : memref<32x128xf32, #tpu.memory_space<vmem>>)
      %dma_wait3A_434 = arith.constant 0 : i32
      %dma_wait3A_435 = arith.constant 0 : i32
      %dma_wait3A_436 = arith.constant 0 : i32
      %dma_wait3A_437 = tpu.memref_slice %arg6[%dma_wait3A_434, %dma_wait3A_435, %dma_wait3A_436] : memref<16x32x128xf32, #tpu.memory_space<vmem>> -> memref<1x32x128xf32, #tpu.memory_space<vmem>>
      %dma_wait3A_438 = tpu.memref_squeeze %dma_wait3A_437 : memref<1x32x128xf32, #tpu.memory_space<vmem>> -> memref<32x128xf32, #tpu.memory_space<vmem>>
      %dma_wait3A_439 = arith.constant 0 : i32
      %dma_wait3A_440 = arith.constant 0 : i32
      %dma_wait3A_441 = tpu.memref_slice %arg2[%dma_wait3A_439, %dma_wait3A_440] : memref<32x1000000xf32, #tpu.memory_space<hbm>> -> memref<32x128xf32, #tpu.memory_space<hbm>>
      %dma_wait3A_442 = arith.constant 0 : i32
      %dma_wait3A_443 = arith.constant 0 : i32
      %dma_wait3A_444 = tpu.memref_slice %arg6[%dma_wait3A_434, %dma_wait3A_442, %dma_wait3A_443] : memref<16x32x128xf32, #tpu.memory_space<vmem>> -> memref<1x32x128xf32, #tpu.memory_space<vmem>>
      %dma_wait3A_445 = tpu.memref_squeeze %dma_wait3A_444 : memref<1x32x128xf32, #tpu.memory_space<vmem>> -> memref<32x128xf32, #tpu.memory_space<vmem>>
      %dma_wait3A_446 = arith.constant 0 : i32
      %dma_wait3A_447 = arith.constant 0 : i32
      %dma_wait3A_448 = tpu.memref_slice %arg2[%dma_wait3A_446, %dma_wait3A_447] : memref<32x1000000xf32, #tpu.memory_space<hbm>> -> memref<32x128xf32, #tpu.memory_space<hbm>>
      tpu.wait_dma2 semaphore(%arg8 : memref<!tpu.dma_semaphore, #tpu.memory_space<semaphore_mem>>) src(%dma_wait3A_448 : memref<32x128xf32, #tpu.memory_space<hbm>>) dst(%dma_wait3A_445 : memref<32x128xf32, #tpu.memory_space<vmem>>)
      %dma_wait3A_449 = arith.constant 0 : i32
      %dma_wait3A_450 = arith.constant 0 : i32
      %dma_wait3A_451 = arith.constant 0 : i32
      %dma_wait3A_452 = tpu.memref_slice %arg6[%dma_wait3A_449, %dma_wait3A_450, %dma_wait3A_451] : memref<16x32x128xf32, #tpu.memory_space<vmem>> -> memref<1x32x128xf32, #tpu.memory_space<vmem>>
      %dma_wait3A_453 = tpu.memref_squeeze %dma_wait3A_452 : memref<1x32x128xf32, #tpu.memory_space<vmem>> -> memref<32x128xf32, #tpu.memory_space<vmem>>
      %dma_wait3A_454 = arith.constant 0 : i32
      %dma_wait3A_455 = arith.constant 0 : i32
      %dma_wait3A_456 = tpu.memref_slice %arg2[%dma_wait3A_454, %dma_wait3A_455] : memref<32x1000000xf32, #tpu.memory_space<hbm>> -> memref<32x128xf32, #tpu.memory_space<hbm>>
      %dma_wait3A_457 = arith.constant 0 : i32
      %dma_wait3A_458 = arith.constant 0 : i32
      %dma_wait3A_459 = tpu.memref_slice %arg6[%dma_wait3A_449, %dma_wait3A_457, %dma_wait3A_458] : memref<16x32x128xf32, #tpu.memory_space<vmem>> -> memref<1x32x128xf32, #tpu.memory_space<vmem>>
      %dma_wait3A_460 = tpu.memref_squeeze %dma_wait3A_459 : memref<1x32x128xf32, #tpu.memory_space<vmem>> -> memref<32x128xf32, #tpu.memory_space<vmem>>
      %dma_wait3A_461 = arith.constant 0 : i32
      %dma_wait3A_462 = arith.constant 0 : i32
      %dma_wait3A_463 = tpu.memref_slice %arg2[%dma_wait3A_461, %dma_wait3A_462] : memref<32x1000000xf32, #tpu.memory_space<hbm>> -> memref<32x128xf32, #tpu.memory_space<hbm>>
      tpu.wait_dma2 semaphore(%arg8 : memref<!tpu.dma_semaphore, #tpu.memory_space<semaphore_mem>>) src(%dma_wait3A_463 : memref<32x128xf32, #tpu.memory_space<hbm>>) dst(%dma_wait3A_460 : memref<32x128xf32, #tpu.memory_space<vmem>>)
      %dma_wait3A_464 = arith.constant 0 : i32
      %dma_wait3A_465 = arith.constant 0 : i32
      %dma_wait3A_466 = arith.constant 0 : i32
      %dma_wait3A_467 = tpu.memref_slice %arg6[%dma_wait3A_464, %dma_wait3A_465, %dma_wait3A_466] : memref<16x32x128xf32, #tpu.memory_space<vmem>> -> memref<1x32x128xf32, #tpu.memory_space<vmem>>
      %dma_wait3A_468 = tpu.memref_squeeze %dma_wait3A_467 : memref<1x32x128xf32, #tpu.memory_space<vmem>> -> memref<32x128xf32, #tpu.memory_space<vmem>>
      %dma_wait3A_469 = arith.constant 0 : i32
      %dma_wait3A_470 = arith.constant 0 : i32
      %dma_wait3A_471 = tpu.memref_slice %arg2[%dma_wait3A_469, %dma_wait3A_470] : memref<32x1000000xf32, #tpu.memory_space<hbm>> -> memref<32x128xf32, #tpu.memory_space<hbm>>
      %dma_wait3A_472 = arith.constant 0 : i32
      %dma_wait3A_473 = arith.constant 0 : i32
      %dma_wait3A_474 = tpu.memref_slice %arg6[%dma_wait3A_464, %dma_wait3A_472, %dma_wait3A_473] : memref<16x32x128xf32, #tpu.memory_space<vmem>> -> memref<1x32x128xf32, #tpu.memory_space<vmem>>
      %dma_wait3A_475 = tpu.memref_squeeze %dma_wait3A_474 : memref<1x32x128xf32, #tpu.memory_space<vmem>> -> memref<32x128xf32, #tpu.memory_space<vmem>>
      %dma_wait3A_476 = arith.constant 0 : i32
      %dma_wait3A_477 = arith.constant 0 : i32
      %dma_wait3A_478 = tpu.memref_slice %arg2[%dma_wait3A_476, %dma_wait3A_477] : memref<32x1000000xf32, #tpu.memory_space<hbm>> -> memref<32x128xf32, #tpu.memory_space<hbm>>
      tpu.wait_dma2 semaphore(%arg8 : memref<!tpu.dma_semaphore, #tpu.memory_space<semaphore_mem>>) src(%dma_wait3A_478 : memref<32x128xf32, #tpu.memory_space<hbm>>) dst(%dma_wait3A_475 : memref<32x128xf32, #tpu.memory_space<vmem>>)
      %dma_wait3A_479 = arith.constant 0 : i32
      %dma_wait3A_480 = arith.constant 0 : i32
      %dma_wait3A_481 = arith.constant 0 : i32
      %dma_wait3A_482 = tpu.memref_slice %arg6[%dma_wait3A_479, %dma_wait3A_480, %dma_wait3A_481] : memref<16x32x128xf32, #tpu.memory_space<vmem>> -> memref<1x32x128xf32, #tpu.memory_space<vmem>>
      %dma_wait3A_483 = tpu.memref_squeeze %dma_wait3A_482 : memref<1x32x128xf32, #tpu.memory_space<vmem>> -> memref<32x128xf32, #tpu.memory_space<vmem>>
      %dma_wait3A_484 = arith.constant 0 : i32
      %dma_wait3A_485 = arith.constant 0 : i32
      %dma_wait3A_486 = tpu.memref_slice %arg2[%dma_wait3A_484, %dma_wait3A_485] : memref<32x1000000xf32, #tpu.memory_space<hbm>> -> memref<32x128xf32, #tpu.memory_space<hbm>>
      %dma_wait3A_487 = arith.constant 0 : i32
      %dma_wait3A_488 = arith.constant 0 : i32
      %dma_wait3A_489 = tpu.memref_slice %arg6[%dma_wait3A_479, %dma_wait3A_487, %dma_wait3A_488] : memref<16x32x128xf32, #tpu.memory_space<vmem>> -> memref<1x32x128xf32, #tpu.memory_space<vmem>>
      %dma_wait3A_490 = tpu.memref_squeeze %dma_wait3A_489 : memref<1x32x128xf32, #tpu.memory_space<vmem>> -> memref<32x128xf32, #tpu.memory_space<vmem>>
      %dma_wait3A_491 = arith.constant 0 : i32
      %dma_wait3A_492 = arith.constant 0 : i32
      %dma_wait3A_493 = tpu.memref_slice %arg2[%dma_wait3A_491, %dma_wait3A_492] : memref<32x1000000xf32, #tpu.memory_space<hbm>> -> memref<32x128xf32, #tpu.memory_space<hbm>>
      tpu.wait_dma2 semaphore(%arg8 : memref<!tpu.dma_semaphore, #tpu.memory_space<semaphore_mem>>) src(%dma_wait3A_493 : memref<32x128xf32, #tpu.memory_space<hbm>>) dst(%dma_wait3A_490 : memref<32x128xf32, #tpu.memory_space<vmem>>)
      %dma_wait3A_494 = arith.constant 0 : i32
      %dma_wait3A_495 = arith.constant 0 : i32
      %dma_wait3A_496 = arith.constant 0 : i32
      %dma_wait3A_497 = tpu.memref_slice %arg6[%dma_wait3A_494, %dma_wait3A_495, %dma_wait3A_496] : memref<16x32x128xf32, #tpu.memory_space<vmem>> -> memref<1x32x128xf32, #tpu.memory_space<vmem>>
      %dma_wait3A_498 = tpu.memref_squeeze %dma_wait3A_497 : memref<1x32x128xf32, #tpu.memory_space<vmem>> -> memref<32x128xf32, #tpu.memory_space<vmem>>
      %dma_wait3A_499 = arith.constant 0 : i32
      %dma_wait3A_500 = arith.constant 0 : i32
      %dma_wait3A_501 = tpu.memref_slice %arg2[%dma_wait3A_499, %dma_wait3A_500] : memref<32x1000000xf32, #tpu.memory_space<hbm>> -> memref<32x128xf32, #tpu.memory_space<hbm>>
      %dma_wait3A_502 = arith.constant 0 : i32
      %dma_wait3A_503 = arith.constant 0 : i32
      %dma_wait3A_504 = tpu.memref_slice %arg6[%dma_wait3A_494, %dma_wait3A_502, %dma_wait3A_503] : memref<16x32x128xf32, #tpu.memory_space<vmem>> -> memref<1x32x128xf32, #tpu.memory_space<vmem>>
      %dma_wait3A_505 = tpu.memref_squeeze %dma_wait3A_504 : memref<1x32x128xf32, #tpu.memory_space<vmem>> -> memref<32x128xf32, #tpu.memory_space<vmem>>
      %dma_wait3A_506 = arith.constant 0 : i32
      %dma_wait3A_507 = arith.constant 0 : i32
      %dma_wait3A_508 = tpu.memref_slice %arg2[%dma_wait3A_506, %dma_wait3A_507] : memref<32x1000000xf32, #tpu.memory_space<hbm>> -> memref<32x128xf32, #tpu.memory_space<hbm>>
      tpu.wait_dma2 semaphore(%arg8 : memref<!tpu.dma_semaphore, #tpu.memory_space<semaphore_mem>>) src(%dma_wait3A_508 : memref<32x128xf32, #tpu.memory_space<hbm>>) dst(%dma_wait3A_505 : memref<32x128xf32, #tpu.memory_space<vmem>>)
      %mul3A_509 = arith.constant 16 : i32
      %mul3A_510 = arith.muli %scan3A_8, %mul3A_509 : i32
      %slice3A_511 = vector.extract_strided_slice %and3A_17 {offsets = [0], sizes = [1], strides = [1]} : vector<16xi32> to vector<1xi32>
      %squeeze3A_512 = vector.extract %slice3A_511[0] : i32 from vector<1xi32>
      %broadcast_in_dim3A = vector.broadcast %squeeze3A_512 : i32 to vector<16xi32>
      %broadcast_in_dim3A_513 = arith.constant 0 : i32
      %broadcast_in_dim3A_514 = vector.broadcast %broadcast_in_dim3A_513 : i32 to vector<16xi32>
      %add3A_515 = arith.constant 0 : i32
      %add3A_516 = arith.addi %mul3A_510, %add3A_515 : i32
      %broadcast_in_dim3A_517 = vector.broadcast %add3A_516 : i32 to vector<16xi32>
      %iota3A = tpu.iota {dimensions = array<i32: 0>} : vector<16xi32>
      %add3A_518 = arith.constant 0 : i32
      %add3A_519 = vector.broadcast %add3A_518 : i32 to vector<16xi32>
      %add3A_520 = arith.addi %iota3A, %add3A_519 : vector<16xi32>
      %gather3A = tpu.vector_load_idx %arg6[%broadcast_in_dim3A_514, %add3A_520, %broadcast_in_dim3A] : memref<16x32x128xf32, #tpu.memory_space<vmem>>[vector<16xi32>, vector<16xi32>, vector<16xi32>], vector<16xf32>,
      tpu.vector_store_idx %arg7[%add3A_520, %broadcast_in_dim3A_517], %gather3A : memref<32x512xf32, #tpu.memory_space<vmem>>[vector<16xi32>, vector<16xi32>], vector<16xf32>,
      %iota3A_521 = tpu.iota {dimensions = array<i32: 0>} : vector<16xi32>
      %add3A_522 = arith.constant 16 : i32
      %add3A_523 = vector.broadcast %add3A_522 : i32 to vector<16xi32>
      %add3A_524 = arith.addi %iota3A_521, %add3A_523 : vector<16xi32>
      %gather3A_525 = tpu.vector_load_idx %arg6[%broadcast_in_dim3A_514, %add3A_524, %broadcast_in_dim3A] : memref<16x32x128xf32, #tpu.memory_space<vmem>>[vector<16xi32>, vector<16xi32>, vector<16xi32>], vector<16xf32>,
      tpu.vector_store_idx %arg7[%add3A_524, %broadcast_in_dim3A_517], %gather3A_525 : memref<32x512xf32, #tpu.memory_space<vmem>>[vector<16xi32>, vector<16xi32>], vector<16xf32>,
      %slice3A_526 = vector.extract_strided_slice %and3A_17 {offsets = [1], sizes = [1], strides = [1]} : vector<16xi32> to vector<1xi32>
      %squeeze3A_527 = vector.extract %slice3A_526[0] : i32 from vector<1xi32>
      %broadcast_in_dim3A_528 = vector.broadcast %squeeze3A_527 : i32 to vector<16xi32>
      %broadcast_in_dim3A_529 = arith.constant 1 : i32
      %broadcast_in_dim3A_530 = vector.broadcast %broadcast_in_dim3A_529 : i32 to vector<16xi32>
      %add3A_531 = arith.constant 1 : i32
      %add3A_532 = arith.addi %mul3A_510, %add3A_531 : i32
      %broadcast_in_dim3A_533 = vector.broadcast %add3A_532 : i32 to vector<16xi32>
      %iota3A_534 = tpu.iota {dimensions = array<i32: 0>} : vector<16xi32>
      %add3A_535 = arith.constant 0 : i32
      %add3A_536 = vector.broadcast %add3A_535 : i32 to vector<16xi32>
      %add3A_537 = arith.addi %iota3A_534, %add3A_536 : vector<16xi32>
      %gather3A_538 = tpu.vector_load_idx %arg6[%broadcast_in_dim3A_530, %add3A_537, %broadcast_in_dim3A_528] : memref<16x32x128xf32, #tpu.memory_space<vmem>>[vector<16xi32>, vector<16xi32>, vector<16xi32>], vector<16xf32>,
      tpu.vector_store_idx %arg7[%add3A_537, %broadcast_in_dim3A_533], %gather3A_538 : memref<32x512xf32, #tpu.memory_space<vmem>>[vector<16xi32>, vector<16xi32>], vector<16xf32>,
      %iota3A_539 = tpu.iota {dimensions = array<i32: 0>} : vector<16xi32>
      %add3A_540 = arith.constant 16 : i32
      %add3A_541 = vector.broadcast %add3A_540 : i32 to vector<16xi32>
      %add3A_542 = arith.addi %iota3A_539, %add3A_541 : vector<16xi32>
      %gather3A_543 = tpu.vector_load_idx %arg6[%broadcast_in_dim3A_530, %add3A_542, %broadcast_in_dim3A_528] : memref<16x32x128xf32, #tpu.memory_space<vmem>>[vector<16xi32>, vector<16xi32>, vector<16xi32>], vector<16xf32>,
      tpu.vector_store_idx %arg7[%add3A_542, %broadcast_in_dim3A_533], %gather3A_543 : memref<32x512xf32, #tpu.memory_space<vmem>>[vector<16xi32>, vector<16xi32>], vector<16xf32>,
      %slice3A_544 = vector.extract_strided_slice %and3A_17 {offsets = [2], sizes = [1], strides = [1]} : vector<16xi32> to vector<1xi32>
      %squeeze3A_545 = vector.extract %slice3A_544[0] : i32 from vector<1xi32>
      %broadcast_in_dim3A_546 = vector.broadcast %squeeze3A_545 : i32 to vector<16xi32>
      %broadcast_in_dim3A_547 = arith.constant 2 : i32
      %broadcast_in_dim3A_548 = vector.broadcast %broadcast_in_dim3A_547 : i32 to vector<16xi32>
      %add3A_549 = arith.constant 2 : i32
      %add3A_550 = arith.addi %mul3A_510, %add3A_549 : i32
      %broadcast_in_dim3A_551 = vector.broadcast %add3A_550 : i32 to vector<16xi32>
      %iota3A_552 = tpu.iota {dimensions = array<i32: 0>} : vector<16xi32>
      %add3A_553 = arith.constant 0 : i32
      %add3A_554 = vector.broadcast %add3A_553 : i32 to vector<16xi32>
      %add3A_555 = arith.addi %iota3A_552, %add3A_554 : vector<16xi32>
      %gather3A_556 = tpu.vector_load_idx %arg6[%broadcast_in_dim3A_548, %add3A_555, %broadcast_in_dim3A_546] : memref<16x32x128xf32, #tpu.memory_space<vmem>>[vector<16xi32>, vector<16xi32>, vector<16xi32>], vector<16xf32>,
      tpu.vector_store_idx %arg7[%add3A_555, %broadcast_in_dim3A_551], %gather3A_556 : memref<32x512xf32, #tpu.memory_space<vmem>>[vector<16xi32>, vector<16xi32>], vector<16xf32>,
      %iota3A_557 = tpu.iota {dimensions = array<i32: 0>} : vector<16xi32>
      %add3A_558 = arith.constant 16 : i32
      %add3A_559 = vector.broadcast %add3A_558 : i32 to vector<16xi32>
      %add3A_560 = arith.addi %iota3A_557, %add3A_559 : vector<16xi32>
      %gather3A_561 = tpu.vector_load_idx %arg6[%broadcast_in_dim3A_548, %add3A_560, %broadcast_in_dim3A_546] : memref<16x32x128xf32, #tpu.memory_space<vmem>>[vector<16xi32>, vector<16xi32>, vector<16xi32>], vector<16xf32>,
      tpu.vector_store_idx %arg7[%add3A_560, %broadcast_in_dim3A_551], %gather3A_561 : memref<32x512xf32, #tpu.memory_space<vmem>>[vector<16xi32>, vector<16xi32>], vector<16xf32>,
      %slice3A_562 = vector.extract_strided_slice %and3A_17 {offsets = [3], sizes = [1], strides = [1]} : vector<16xi32> to vector<1xi32>
      %squeeze3A_563 = vector.extract %slice3A_562[0] : i32 from vector<1xi32>
      %broadcast_in_dim3A_564 = vector.broadcast %squeeze3A_563 : i32 to vector<16xi32>
      %broadcast_in_dim3A_565 = arith.constant 3 : i32
      %broadcast_in_dim3A_566 = vector.broadcast %broadcast_in_dim3A_565 : i32 to vector<16xi32>
      %add3A_567 = arith.constant 3 : i32
      %add3A_568 = arith.addi %mul3A_510, %add3A_567 : i32
      %broadcast_in_dim3A_569 = vector.broadcast %add3A_568 : i32 to vector<16xi32>
      %iota3A_570 = tpu.iota {dimensions = array<i32: 0>} : vector<16xi32>
      %add3A_571 = arith.constant 0 : i32
      %add3A_572 = vector.broadcast %add3A_571 : i32 to vector<16xi32>
      %add3A_573 = arith.addi %iota3A_570, %add3A_572 : vector<16xi32>
      %gather3A_574 = tpu.vector_load_idx %arg6[%broadcast_in_dim3A_566, %add3A_573, %broadcast_in_dim3A_564] : memref<16x32x128xf32, #tpu.memory_space<vmem>>[vector<16xi32>, vector<16xi32>, vector<16xi32>], vector<16xf32>,
      tpu.vector_store_idx %arg7[%add3A_573, %broadcast_in_dim3A_569], %gather3A_574 : memref<32x512xf32, #tpu.memory_space<vmem>>[vector<16xi32>, vector<16xi32>], vector<16xf32>,
      %iota3A_575 = tpu.iota {dimensions = array<i32: 0>} : vector<16xi32>
      %add3A_576 = arith.constant 16 : i32
      %add3A_577 = vector.broadcast %add3A_576 : i32 to vector<16xi32>
      %add3A_578 = arith.addi %iota3A_575, %add3A_577 : vector<16xi32>
      %gather3A_579 = tpu.vector_load_idx %arg6[%broadcast_in_dim3A_566, %add3A_578, %broadcast_in_dim3A_564] : memref<16x32x128xf32, #tpu.memory_space<vmem>>[vector<16xi32>, vector<16xi32>, vector<16xi32>], vector<16xf32>,
      tpu.vector_store_idx %arg7[%add3A_578, %broadcast_in_dim3A_569], %gather3A_579 : memref<32x512xf32, #tpu.memory_space<vmem>>[vector<16xi32>, vector<16xi32>], vector<16xf32>,
      %slice3A_580 = vector.extract_strided_slice %and3A_17 {offsets = [4], sizes = [1], strides = [1]} : vector<16xi32> to vector<1xi32>
      %squeeze3A_581 = vector.extract %slice3A_580[0] : i32 from vector<1xi32>
      %broadcast_in_dim3A_582 = vector.broadcast %squeeze3A_581 : i32 to vector<16xi32>
      %broadcast_in_dim3A_583 = arith.constant 4 : i32
      %broadcast_in_dim3A_584 = vector.broadcast %broadcast_in_dim3A_583 : i32 to vector<16xi32>
      %add3A_585 = arith.constant 4 : i32
      %add3A_586 = arith.addi %mul3A_510, %add3A_585 : i32
      %broadcast_in_dim3A_587 = vector.broadcast %add3A_586 : i32 to vector<16xi32>
      %iota3A_588 = tpu.iota {dimensions = array<i32: 0>} : vector<16xi32>
      %add3A_589 = arith.constant 0 : i32
      %add3A_590 = vector.broadcast %add3A_589 : i32 to vector<16xi32>
      %add3A_591 = arith.addi %iota3A_588, %add3A_590 : vector<16xi32>
      %gather3A_592 = tpu.vector_load_idx %arg6[%broadcast_in_dim3A_584, %add3A_591, %broadcast_in_dim3A_582] : memref<16x32x128xf32, #tpu.memory_space<vmem>>[vector<16xi32>, vector<16xi32>, vector<16xi32>], vector<16xf32>,
      tpu.vector_store_idx %arg7[%add3A_591, %broadcast_in_dim3A_587], %gather3A_592 : memref<32x512xf32, #tpu.memory_space<vmem>>[vector<16xi32>, vector<16xi32>], vector<16xf32>,
      %iota3A_593 = tpu.iota {dimensions = array<i32: 0>} : vector<16xi32>
      %add3A_594 = arith.constant 16 : i32
      %add3A_595 = vector.broadcast %add3A_594 : i32 to vector<16xi32>
      %add3A_596 = arith.addi %iota3A_593, %add3A_595 : vector<16xi32>
      %gather3A_597 = tpu.vector_load_idx %arg6[%broadcast_in_dim3A_584, %add3A_596, %broadcast_in_dim3A_582] : memref<16x32x128xf32, #tpu.memory_space<vmem>>[vector<16xi32>, vector<16xi32>, vector<16xi32>], vector<16xf32>,
      tpu.vector_store_idx %arg7[%add3A_596, %broadcast_in_dim3A_587], %gather3A_597 : memref<32x512xf32, #tpu.memory_space<vmem>>[vector<16xi32>, vector<16xi32>], vector<16xf32>,
      %slice3A_598 = vector.extract_strided_slice %and3A_17 {offsets = [5], sizes = [1], strides = [1]} : vector<16xi32> to vector<1xi32>
      %squeeze3A_599 = vector.extract %slice3A_598[0] : i32 from vector<1xi32>
      %broadcast_in_dim3A_600 = vector.broadcast %squeeze3A_599 : i32 to vector<16xi32>
      %broadcast_in_dim3A_601 = arith.constant 5 : i32
      %broadcast_in_dim3A_602 = vector.broadcast %broadcast_in_dim3A_601 : i32 to vector<16xi32>
      %add3A_603 = arith.constant 5 : i32
      %add3A_604 = arith.addi %mul3A_510, %add3A_603 : i32
      %broadcast_in_dim3A_605 = vector.broadcast %add3A_604 : i32 to vector<16xi32>
      %iota3A_606 = tpu.iota {dimensions = array<i32: 0>} : vector<16xi32>
      %add3A_607 = arith.constant 0 : i32
      %add3A_608 = vector.broadcast %add3A_607 : i32 to vector<16xi32>
      %add3A_609 = arith.addi %iota3A_606, %add3A_608 : vector<16xi32>
      %gather3A_610 = tpu.vector_load_idx %arg6[%broadcast_in_dim3A_602, %add3A_609, %broadcast_in_dim3A_600] : memref<16x32x128xf32, #tpu.memory_space<vmem>>[vector<16xi32>, vector<16xi32>, vector<16xi32>], vector<16xf32>,
      tpu.vector_store_idx %arg7[%add3A_609, %broadcast_in_dim3A_605], %gather3A_610 : memref<32x512xf32, #tpu.memory_space<vmem>>[vector<16xi32>, vector<16xi32>], vector<16xf32>,
      %iota3A_611 = tpu.iota {dimensions = array<i32: 0>} : vector<16xi32>
      %add3A_612 = arith.constant 16 : i32
      %add3A_613 = vector.broadcast %add3A_612 : i32 to vector<16xi32>
      %add3A_614 = arith.addi %iota3A_611, %add3A_613 : vector<16xi32>
      %gather3A_615 = tpu.vector_load_idx %arg6[%broadcast_in_dim3A_602, %add3A_614, %broadcast_in_dim3A_600] : memref<16x32x128xf32, #tpu.memory_space<vmem>>[vector<16xi32>, vector<16xi32>, vector<16xi32>], vector<16xf32>,
      tpu.vector_store_idx %arg7[%add3A_614, %broadcast_in_dim3A_605], %gather3A_615 : memref<32x512xf32, #tpu.memory_space<vmem>>[vector<16xi32>, vector<16xi32>], vector<16xf32>,
      %slice3A_616 = vector.extract_strided_slice %and3A_17 {offsets = [6], sizes = [1], strides = [1]} : vector<16xi32> to vector<1xi32>
      %squeeze3A_617 = vector.extract %slice3A_616[0] : i32 from vector<1xi32>
      %broadcast_in_dim3A_618 = vector.broadcast %squeeze3A_617 : i32 to vector<16xi32>
      %broadcast_in_dim3A_619 = arith.constant 6 : i32
      %broadcast_in_dim3A_620 = vector.broadcast %broadcast_in_dim3A_619 : i32 to vector<16xi32>
      %add3A_621 = arith.constant 6 : i32
      %add3A_622 = arith.addi %mul3A_510, %add3A_621 : i32
      %broadcast_in_dim3A_623 = vector.broadcast %add3A_622 : i32 to vector<16xi32>
      %iota3A_624 = tpu.iota {dimensions = array<i32: 0>} : vector<16xi32>
      %add3A_625 = arith.constant 0 : i32
      %add3A_626 = vector.broadcast %add3A_625 : i32 to vector<16xi32>
      %add3A_627 = arith.addi %iota3A_624, %add3A_626 : vector<16xi32>
      %gather3A_628 = tpu.vector_load_idx %arg6[%broadcast_in_dim3A_620, %add3A_627, %broadcast_in_dim3A_618] : memref<16x32x128xf32, #tpu.memory_space<vmem>>[vector<16xi32>, vector<16xi32>, vector<16xi32>], vector<16xf32>,
      tpu.vector_store_idx %arg7[%add3A_627, %broadcast_in_dim3A_623], %gather3A_628 : memref<32x512xf32, #tpu.memory_space<vmem>>[vector<16xi32>, vector<16xi32>], vector<16xf32>,
      %iota3A_629 = tpu.iota {dimensions = array<i32: 0>} : vector<16xi32>
      %add3A_630 = arith.constant 16 : i32
      %add3A_631 = vector.broadcast %add3A_630 : i32 to vector<16xi32>
      %add3A_632 = arith.addi %iota3A_629, %add3A_631 : vector<16xi32>
      %gather3A_633 = tpu.vector_load_idx %arg6[%broadcast_in_dim3A_620, %add3A_632, %broadcast_in_dim3A_618] : memref<16x32x128xf32, #tpu.memory_space<vmem>>[vector<16xi32>, vector<16xi32>, vector<16xi32>], vector<16xf32>,
      tpu.vector_store_idx %arg7[%add3A_632, %broadcast_in_dim3A_623], %gather3A_633 : memref<32x512xf32, #tpu.memory_space<vmem>>[vector<16xi32>, vector<16xi32>], vector<16xf32>,
      %slice3A_634 = vector.extract_strided_slice %and3A_17 {offsets = [7], sizes = [1], strides = [1]} : vector<16xi32> to vector<1xi32>
      %squeeze3A_635 = vector.extract %slice3A_634[0] : i32 from vector<1xi32>
      %broadcast_in_dim3A_636 = vector.broadcast %squeeze3A_635 : i32 to vector<16xi32>
      %broadcast_in_dim3A_637 = arith.constant 7 : i32
      %broadcast_in_dim3A_638 = vector.broadcast %broadcast_in_dim3A_637 : i32 to vector<16xi32>
      %add3A_639 = arith.constant 7 : i32
      %add3A_640 = arith.addi %mul3A_510, %add3A_639 : i32
      %broadcast_in_dim3A_641 = vector.broadcast %add3A_640 : i32 to vector<16xi32>
      %iota3A_642 = tpu.iota {dimensions = array<i32: 0>} : vector<16xi32>
      %add3A_643 = arith.constant 0 : i32
      %add3A_644 = vector.broadcast %add3A_643 : i32 to vector<16xi32>
      %add3A_645 = arith.addi %iota3A_642, %add3A_644 : vector<16xi32>
      %gather3A_646 = tpu.vector_load_idx %arg6[%broadcast_in_dim3A_638, %add3A_645, %broadcast_in_dim3A_636] : memref<16x32x128xf32, #tpu.memory_space<vmem>>[vector<16xi32>, vector<16xi32>, vector<16xi32>], vector<16xf32>,
      tpu.vector_store_idx %arg7[%add3A_645, %broadcast_in_dim3A_641], %gather3A_646 : memref<32x512xf32, #tpu.memory_space<vmem>>[vector<16xi32>, vector<16xi32>], vector<16xf32>,
      %iota3A_647 = tpu.iota {dimensions = array<i32: 0>} : vector<16xi32>
      %add3A_648 = arith.constant 16 : i32
      %add3A_649 = vector.broadcast %add3A_648 : i32 to vector<16xi32>
      %add3A_650 = arith.addi %iota3A_647, %add3A_649 : vector<16xi32>
      %gather3A_651 = tpu.vector_load_idx %arg6[%broadcast_in_dim3A_638, %add3A_650, %broadcast_in_dim3A_636] : memref<16x32x128xf32, #tpu.memory_space<vmem>>[vector<16xi32>, vector<16xi32>, vector<16xi32>], vector<16xf32>,
      tpu.vector_store_idx %arg7[%add3A_650, %broadcast_in_dim3A_641], %gather3A_651 : memref<32x512xf32, #tpu.memory_space<vmem>>[vector<16xi32>, vector<16xi32>], vector<16xf32>,
      %slice3A_652 = vector.extract_strided_slice %and3A_17 {offsets = [8], sizes = [1], strides = [1]} : vector<16xi32> to vector<1xi32>
      %squeeze3A_653 = vector.extract %slice3A_652[0] : i32 from vector<1xi32>
      %broadcast_in_dim3A_654 = vector.broadcast %squeeze3A_653 : i32 to vector<16xi32>
      %broadcast_in_dim3A_655 = arith.constant 8 : i32
      %broadcast_in_dim3A_656 = vector.broadcast %broadcast_in_dim3A_655 : i32 to vector<16xi32>
      %add3A_657 = arith.constant 8 : i32
      %add3A_658 = arith.addi %mul3A_510, %add3A_657 : i32
      %broadcast_in_dim3A_659 = vector.broadcast %add3A_658 : i32 to vector<16xi32>
      %iota3A_660 = tpu.iota {dimensions = array<i32: 0>} : vector<16xi32>
      %add3A_661 = arith.constant 0 : i32
      %add3A_662 = vector.broadcast %add3A_661 : i32 to vector<16xi32>
      %add3A_663 = arith.addi %iota3A_660, %add3A_662 : vector<16xi32>
      %gather3A_664 = tpu.vector_load_idx %arg6[%broadcast_in_dim3A_656, %add3A_663, %broadcast_in_dim3A_654] : memref<16x32x128xf32, #tpu.memory_space<vmem>>[vector<16xi32>, vector<16xi32>, vector<16xi32>], vector<16xf32>,
      tpu.vector_store_idx %arg7[%add3A_663, %broadcast_in_dim3A_659], %gather3A_664 : memref<32x512xf32, #tpu.memory_space<vmem>>[vector<16xi32>, vector<16xi32>], vector<16xf32>,
      %iota3A_665 = tpu.iota {dimensions = array<i32: 0>} : vector<16xi32>
      %add3A_666 = arith.constant 16 : i32
      %add3A_667 = vector.broadcast %add3A_666 : i32 to vector<16xi32>
      %add3A_668 = arith.addi %iota3A_665, %add3A_667 : vector<16xi32>
      %gather3A_669 = tpu.vector_load_idx %arg6[%broadcast_in_dim3A_656, %add3A_668, %broadcast_in_dim3A_654] : memref<16x32x128xf32, #tpu.memory_space<vmem>>[vector<16xi32>, vector<16xi32>, vector<16xi32>], vector<16xf32>,
      tpu.vector_store_idx %arg7[%add3A_668, %broadcast_in_dim3A_659], %gather3A_669 : memref<32x512xf32, #tpu.memory_space<vmem>>[vector<16xi32>, vector<16xi32>], vector<16xf32>,
      %slice3A_670 = vector.extract_strided_slice %and3A_17 {offsets = [9], sizes = [1], strides = [1]} : vector<16xi32> to vector<1xi32>
      %squeeze3A_671 = vector.extract %slice3A_670[0] : i32 from vector<1xi32>
      %broadcast_in_dim3A_672 = vector.broadcast %squeeze3A_671 : i32 to vector<16xi32>
      %broadcast_in_dim3A_673 = arith.constant 9 : i32
      %broadcast_in_dim3A_674 = vector.broadcast %broadcast_in_dim3A_673 : i32 to vector<16xi32>
      %add3A_675 = arith.constant 9 : i32
      %add3A_676 = arith.addi %mul3A_510, %add3A_675 : i32
      %broadcast_in_dim3A_677 = vector.broadcast %add3A_676 : i32 to vector<16xi32>
      %iota3A_678 = tpu.iota {dimensions = array<i32: 0>} : vector<16xi32>
      %add3A_679 = arith.constant 0 : i32
      %add3A_680 = vector.broadcast %add3A_679 : i32 to vector<16xi32>
      %add3A_681 = arith.addi %iota3A_678, %add3A_680 : vector<16xi32>
      %gather3A_682 = tpu.vector_load_idx %arg6[%broadcast_in_dim3A_674, %add3A_681, %broadcast_in_dim3A_672] : memref<16x32x128xf32, #tpu.memory_space<vmem>>[vector<16xi32>, vector<16xi32>, vector<16xi32>], vector<16xf32>,
      tpu.vector_store_idx %arg7[%add3A_681, %broadcast_in_dim3A_677], %gather3A_682 : memref<32x512xf32, #tpu.memory_space<vmem>>[vector<16xi32>, vector<16xi32>], vector<16xf32>,
      %iota3A_683 = tpu.iota {dimensions = array<i32: 0>} : vector<16xi32>
      %add3A_684 = arith.constant 16 : i32
      %add3A_685 = vector.broadcast %add3A_684 : i32 to vector<16xi32>
      %add3A_686 = arith.addi %iota3A_683, %add3A_685 : vector<16xi32>
      %gather3A_687 = tpu.vector_load_idx %arg6[%broadcast_in_dim3A_674, %add3A_686, %broadcast_in_dim3A_672] : memref<16x32x128xf32, #tpu.memory_space<vmem>>[vector<16xi32>, vector<16xi32>, vector<16xi32>], vector<16xf32>,
      tpu.vector_store_idx %arg7[%add3A_686, %broadcast_in_dim3A_677], %gather3A_687 : memref<32x512xf32, #tpu.memory_space<vmem>>[vector<16xi32>, vector<16xi32>], vector<16xf32>,
      %slice3A_688 = vector.extract_strided_slice %and3A_17 {offsets = [10], sizes = [1], strides = [1]} : vector<16xi32> to vector<1xi32>
      %squeeze3A_689 = vector.extract %slice3A_688[0] : i32 from vector<1xi32>
      %broadcast_in_dim3A_690 = vector.broadcast %squeeze3A_689 : i32 to vector<16xi32>
      %broadcast_in_dim3A_691 = arith.constant 10 : i32
      %broadcast_in_dim3A_692 = vector.broadcast %broadcast_in_dim3A_691 : i32 to vector<16xi32>
      %add3A_693 = arith.constant 10 : i32
      %add3A_694 = arith.addi %mul3A_510, %add3A_693 : i32
      %broadcast_in_dim3A_695 = vector.broadcast %add3A_694 : i32 to vector<16xi32>
      %iota3A_696 = tpu.iota {dimensions = array<i32: 0>} : vector<16xi32>
      %add3A_697 = arith.constant 0 : i32
      %add3A_698 = vector.broadcast %add3A_697 : i32 to vector<16xi32>
      %add3A_699 = arith.addi %iota3A_696, %add3A_698 : vector<16xi32>
      %gather3A_700 = tpu.vector_load_idx %arg6[%broadcast_in_dim3A_692, %add3A_699, %broadcast_in_dim3A_690] : memref<16x32x128xf32, #tpu.memory_space<vmem>>[vector<16xi32>, vector<16xi32>, vector<16xi32>], vector<16xf32>,
      tpu.vector_store_idx %arg7[%add3A_699, %broadcast_in_dim3A_695], %gather3A_700 : memref<32x512xf32, #tpu.memory_space<vmem>>[vector<16xi32>, vector<16xi32>], vector<16xf32>,
      %iota3A_701 = tpu.iota {dimensions = array<i32: 0>} : vector<16xi32>
      %add3A_702 = arith.constant 16 : i32
      %add3A_703 = vector.broadcast %add3A_702 : i32 to vector<16xi32>
      %add3A_704 = arith.addi %iota3A_701, %add3A_703 : vector<16xi32>
      %gather3A_705 = tpu.vector_load_idx %arg6[%broadcast_in_dim3A_692, %add3A_704, %broadcast_in_dim3A_690] : memref<16x32x128xf32, #tpu.memory_space<vmem>>[vector<16xi32>, vector<16xi32>, vector<16xi32>], vector<16xf32>,
      tpu.vector_store_idx %arg7[%add3A_704, %broadcast_in_dim3A_695], %gather3A_705 : memref<32x512xf32, #tpu.memory_space<vmem>>[vector<16xi32>, vector<16xi32>], vector<16xf32>,
      %slice3A_706 = vector.extract_strided_slice %and3A_17 {offsets = [11], sizes = [1], strides = [1]} : vector<16xi32> to vector<1xi32>
      %squeeze3A_707 = vector.extract %slice3A_706[0] : i32 from vector<1xi32>
      %broadcast_in_dim3A_708 = vector.broadcast %squeeze3A_707 : i32 to vector<16xi32>
      %broadcast_in_dim3A_709 = arith.constant 11 : i32
      %broadcast_in_dim3A_710 = vector.broadcast %broadcast_in_dim3A_709 : i32 to vector<16xi32>
      %add3A_711 = arith.constant 11 : i32
      %add3A_712 = arith.addi %mul3A_510, %add3A_711 : i32
      %broadcast_in_dim3A_713 = vector.broadcast %add3A_712 : i32 to vector<16xi32>
      %iota3A_714 = tpu.iota {dimensions = array<i32: 0>} : vector<16xi32>
      %add3A_715 = arith.constant 0 : i32
      %add3A_716 = vector.broadcast %add3A_715 : i32 to vector<16xi32>
      %add3A_717 = arith.addi %iota3A_714, %add3A_716 : vector<16xi32>
      %gather3A_718 = tpu.vector_load_idx %arg6[%broadcast_in_dim3A_710, %add3A_717, %broadcast_in_dim3A_708] : memref<16x32x128xf32, #tpu.memory_space<vmem>>[vector<16xi32>, vector<16xi32>, vector<16xi32>], vector<16xf32>,
      tpu.vector_store_idx %arg7[%add3A_717, %broadcast_in_dim3A_713], %gather3A_718 : memref<32x512xf32, #tpu.memory_space<vmem>>[vector<16xi32>, vector<16xi32>], vector<16xf32>,
      %iota3A_719 = tpu.iota {dimensions = array<i32: 0>} : vector<16xi32>
      %add3A_720 = arith.constant 16 : i32
      %add3A_721 = vector.broadcast %add3A_720 : i32 to vector<16xi32>
      %add3A_722 = arith.addi %iota3A_719, %add3A_721 : vector<16xi32>
      %gather3A_723 = tpu.vector_load_idx %arg6[%broadcast_in_dim3A_710, %add3A_722, %broadcast_in_dim3A_708] : memref<16x32x128xf32, #tpu.memory_space<vmem>>[vector<16xi32>, vector<16xi32>, vector<16xi32>], vector<16xf32>,
      tpu.vector_store_idx %arg7[%add3A_722, %broadcast_in_dim3A_713], %gather3A_723 : memref<32x512xf32, #tpu.memory_space<vmem>>[vector<16xi32>, vector<16xi32>], vector<16xf32>,
      %slice3A_724 = vector.extract_strided_slice %and3A_17 {offsets = [12], sizes = [1], strides = [1]} : vector<16xi32> to vector<1xi32>
      %squeeze3A_725 = vector.extract %slice3A_724[0] : i32 from vector<1xi32>
      %broadcast_in_dim3A_726 = vector.broadcast %squeeze3A_725 : i32 to vector<16xi32>
      %broadcast_in_dim3A_727 = arith.constant 12 : i32
      %broadcast_in_dim3A_728 = vector.broadcast %broadcast_in_dim3A_727 : i32 to vector<16xi32>
      %add3A_729 = arith.constant 12 : i32
      %add3A_730 = arith.addi %mul3A_510, %add3A_729 : i32
      %broadcast_in_dim3A_731 = vector.broadcast %add3A_730 : i32 to vector<16xi32>
      %iota3A_732 = tpu.iota {dimensions = array<i32: 0>} : vector<16xi32>
      %add3A_733 = arith.constant 0 : i32
      %add3A_734 = vector.broadcast %add3A_733 : i32 to vector<16xi32>
      %add3A_735 = arith.addi %iota3A_732, %add3A_734 : vector<16xi32>
      %gather3A_736 = tpu.vector_load_idx %arg6[%broadcast_in_dim3A_728, %add3A_735, %broadcast_in_dim3A_726] : memref<16x32x128xf32, #tpu.memory_space<vmem>>[vector<16xi32>, vector<16xi32>, vector<16xi32>], vector<16xf32>,
      tpu.vector_store_idx %arg7[%add3A_735, %broadcast_in_dim3A_731], %gather3A_736 : memref<32x512xf32, #tpu.memory_space<vmem>>[vector<16xi32>, vector<16xi32>], vector<16xf32>,
      %iota3A_737 = tpu.iota {dimensions = array<i32: 0>} : vector<16xi32>
      %add3A_738 = arith.constant 16 : i32
      %add3A_739 = vector.broadcast %add3A_738 : i32 to vector<16xi32>
      %add3A_740 = arith.addi %iota3A_737, %add3A_739 : vector<16xi32>
      %gather3A_741 = tpu.vector_load_idx %arg6[%broadcast_in_dim3A_728, %add3A_740, %broadcast_in_dim3A_726] : memref<16x32x128xf32, #tpu.memory_space<vmem>>[vector<16xi32>, vector<16xi32>, vector<16xi32>], vector<16xf32>,
      tpu.vector_store_idx %arg7[%add3A_740, %broadcast_in_dim3A_731], %gather3A_741 : memref<32x512xf32, #tpu.memory_space<vmem>>[vector<16xi32>, vector<16xi32>], vector<16xf32>,
      %slice3A_742 = vector.extract_strided_slice %and3A_17 {offsets = [13], sizes = [1], strides = [1]} : vector<16xi32> to vector<1xi32>
      %squeeze3A_743 = vector.extract %slice3A_742[0] : i32 from vector<1xi32>
      %broadcast_in_dim3A_744 = vector.broadcast %squeeze3A_743 : i32 to vector<16xi32>
      %broadcast_in_dim3A_745 = arith.constant 13 : i32
      %broadcast_in_dim3A_746 = vector.broadcast %broadcast_in_dim3A_745 : i32 to vector<16xi32>
      %add3A_747 = arith.constant 13 : i32
      %add3A_748 = arith.addi %mul3A_510, %add3A_747 : i32
      %broadcast_in_dim3A_749 = vector.broadcast %add3A_748 : i32 to vector<16xi32>
      %iota3A_750 = tpu.iota {dimensions = array<i32: 0>} : vector<16xi32>
      %add3A_751 = arith.constant 0 : i32
      %add3A_752 = vector.broadcast %add3A_751 : i32 to vector<16xi32>
      %add3A_753 = arith.addi %iota3A_750, %add3A_752 : vector<16xi32>
      %gather3A_754 = tpu.vector_load_idx %arg6[%broadcast_in_dim3A_746, %add3A_753, %broadcast_in_dim3A_744] : memref<16x32x128xf32, #tpu.memory_space<vmem>>[vector<16xi32>, vector<16xi32>, vector<16xi32>], vector<16xf32>,
      tpu.vector_store_idx %arg7[%add3A_753, %broadcast_in_dim3A_749], %gather3A_754 : memref<32x512xf32, #tpu.memory_space<vmem>>[vector<16xi32>, vector<16xi32>], vector<16xf32>,
      %iota3A_755 = tpu.iota {dimensions = array<i32: 0>} : vector<16xi32>
      %add3A_756 = arith.constant 16 : i32
      %add3A_757 = vector.broadcast %add3A_756 : i32 to vector<16xi32>
      %add3A_758 = arith.addi %iota3A_755, %add3A_757 : vector<16xi32>
      %gather3A_759 = tpu.vector_load_idx %arg6[%broadcast_in_dim3A_746, %add3A_758, %broadcast_in_dim3A_744] : memref<16x32x128xf32, #tpu.memory_space<vmem>>[vector<16xi32>, vector<16xi32>, vector<16xi32>], vector<16xf32>,
      tpu.vector_store_idx %arg7[%add3A_758, %broadcast_in_dim3A_749], %gather3A_759 : memref<32x512xf32, #tpu.memory_space<vmem>>[vector<16xi32>, vector<16xi32>], vector<16xf32>,
      %slice3A_760 = vector.extract_strided_slice %and3A_17 {offsets = [14], sizes = [1], strides = [1]} : vector<16xi32> to vector<1xi32>
      %squeeze3A_761 = vector.extract %slice3A_760[0] : i32 from vector<1xi32>
      %broadcast_in_dim3A_762 = vector.broadcast %squeeze3A_761 : i32 to vector<16xi32>
      %broadcast_in_dim3A_763 = arith.constant 14 : i32
      %broadcast_in_dim3A_764 = vector.broadcast %broadcast_in_dim3A_763 : i32 to vector<16xi32>
      %add3A_765 = arith.constant 14 : i32
      %add3A_766 = arith.addi %mul3A_510, %add3A_765 : i32
      %broadcast_in_dim3A_767 = vector.broadcast %add3A_766 : i32 to vector<16xi32>
      %iota3A_768 = tpu.iota {dimensions = array<i32: 0>} : vector<16xi32>
      %add3A_769 = arith.constant 0 : i32
      %add3A_770 = vector.broadcast %add3A_769 : i32 to vector<16xi32>
      %add3A_771 = arith.addi %iota3A_768, %add3A_770 : vector<16xi32>
      %gather3A_772 = tpu.vector_load_idx %arg6[%broadcast_in_dim3A_764, %add3A_771, %broadcast_in_dim3A_762] : memref<16x32x128xf32, #tpu.memory_space<vmem>>[vector<16xi32>, vector<16xi32>, vector<16xi32>], vector<16xf32>,
      tpu.vector_store_idx %arg7[%add3A_771, %broadcast_in_dim3A_767], %gather3A_772 : memref<32x512xf32, #tpu.memory_space<vmem>>[vector<16xi32>, vector<16xi32>], vector<16xf32>,
      %iota3A_773 = tpu.iota {dimensions = array<i32: 0>} : vector<16xi32>
      %add3A_774 = arith.constant 16 : i32
      %add3A_775 = vector.broadcast %add3A_774 : i32 to vector<16xi32>
      %add3A_776 = arith.addi %iota3A_773, %add3A_775 : vector<16xi32>
      %gather3A_777 = tpu.vector_load_idx %arg6[%broadcast_in_dim3A_764, %add3A_776, %broadcast_in_dim3A_762] : memref<16x32x128xf32, #tpu.memory_space<vmem>>[vector<16xi32>, vector<16xi32>, vector<16xi32>], vector<16xf32>,
      tpu.vector_store_idx %arg7[%add3A_776, %broadcast_in_dim3A_767], %gather3A_777 : memref<32x512xf32, #tpu.memory_space<vmem>>[vector<16xi32>, vector<16xi32>], vector<16xf32>,
      %slice3A_778 = vector.extract_strided_slice %and3A_17 {offsets = [15], sizes = [1], strides = [1]} : vector<16xi32> to vector<1xi32>
      %squeeze3A_779 = vector.extract %slice3A_778[0] : i32 from vector<1xi32>
      %broadcast_in_dim3A_780 = vector.broadcast %squeeze3A_779 : i32 to vector<16xi32>
      %broadcast_in_dim3A_781 = arith.constant 15 : i32
      %broadcast_in_dim3A_782 = vector.broadcast %broadcast_in_dim3A_781 : i32 to vector<16xi32>
      %add3A_783 = arith.constant 15 : i32
      %add3A_784 = arith.addi %mul3A_510, %add3A_783 : i32
      %broadcast_in_dim3A_785 = vector.broadcast %add3A_784 : i32 to vector<16xi32>
      %iota3A_786 = tpu.iota {dimensions = array<i32: 0>} : vector<16xi32>
      %add3A_787 = arith.constant 0 : i32
      %add3A_788 = vector.broadcast %add3A_787 : i32 to vector<16xi32>
      %add3A_789 = arith.addi %iota3A_786, %add3A_788 : vector<16xi32>
      %gather3A_790 = tpu.vector_load_idx %arg6[%broadcast_in_dim3A_782, %add3A_789, %broadcast_in_dim3A_780] : memref<16x32x128xf32, #tpu.memory_space<vmem>>[vector<16xi32>, vector<16xi32>, vector<16xi32>], vector<16xf32>,
      tpu.vector_store_idx %arg7[%add3A_789, %broadcast_in_dim3A_785], %gather3A_790 : memref<32x512xf32, #tpu.memory_space<vmem>>[vector<16xi32>, vector<16xi32>], vector<16xf32>,
      %iota3A_791 = tpu.iota {dimensions = array<i32: 0>} : vector<16xi32>
      %add3A_792 = arith.constant 16 : i32
      %add3A_793 = vector.broadcast %add3A_792 : i32 to vector<16xi32>
      %add3A_794 = arith.addi %iota3A_791, %add3A_793 : vector<16xi32>
      %gather3A_795 = tpu.vector_load_idx %arg6[%broadcast_in_dim3A_782, %add3A_794, %broadcast_in_dim3A_780] : memref<16x32x128xf32, #tpu.memory_space<vmem>>[vector<16xi32>, vector<16xi32>, vector<16xi32>], vector<16xf32>,
      tpu.vector_store_idx %arg7[%add3A_794, %broadcast_in_dim3A_785], %gather3A_795 : memref<32x512xf32, #tpu.memory_space<vmem>>[vector<16xi32>, vector<16xi32>], vector<16xf32>,
    }
    %scan3A_7 = arith.constant 32 : i32
    "tpu.region"() ({
      %run_scoped3A = tpu.sem_alloc : memref<!tpu.dma_semaphore, #tpu.memory_space<semaphore_mem>>
      %dma_start3A = arith.constant 0 : i32
      %dma_start3A_8 = tpu.memref_slice %arg4[%dma_start3A, %mul3A_2] : memref<32x16384xf32, #tpu.memory_space<hbm>> -> memref<32x512xf32, #tpu.memory_space<hbm>>
      %dma_start3A_9 = arith.constant 0 : i32
      %dma_start3A_10 = tpu.memref_slice %arg4[%dma_start3A_9, %mul3A_2] : memref<32x16384xf32, #tpu.memory_space<hbm>> -> memref<32x512xf32, #tpu.memory_space<hbm>>
      tpu.enqueue_dma source(%arg7 : memref<32x512xf32, #tpu.memory_space<vmem>>) target(%dma_start3A_10 : memref<32x512xf32, #tpu.memory_space<hbm>>) target_semaphore(%run_scoped3A : memref<!tpu.dma_semaphore, #tpu.memory_space<semaphore_mem>>)
      %dma_wait3A = arith.constant 0 : i32
      %dma_wait3A_11 = tpu.memref_slice %arg4[%dma_wait3A, %mul3A_2] : memref<32x16384xf32, #tpu.memory_space<hbm>> -> memref<32x512xf32, #tpu.memory_space<hbm>>
      %dma_wait3A_12 = arith.constant 0 : i32
      %dma_wait3A_13 = tpu.memref_slice %arg4[%dma_wait3A_12, %mul3A_2] : memref<32x16384xf32, #tpu.memory_space<hbm>> -> memref<32x512xf32, #tpu.memory_space<hbm>>
      tpu.wait_dma2 semaphore(%run_scoped3A : memref<!tpu.dma_semaphore, #tpu.memory_space<semaphore_mem>>) src(%arg7 : memref<32x512xf32, #tpu.memory_space<vmem>>) dst(%dma_wait3A_13 : memref<32x512xf32, #tpu.memory_space<hbm>>)
      tpu.yield
    }) : () -> ()
    return
  }
}

</mosaic_0001>

<sc_bundles>
// kernel: kernel.3.cloned.1.call-start
scs
__scs_entry_jumppad:
0x0: {  	(pc) =	sbr.rel $0x88, $3  }
0x1: {  	(tag) =	ssettag $0x0;
	lr =	simm.s32 $0x1  }
0x2: {  	[smem:$0x3F9F] =	sst lr;
	_ =	strace $0xD0000000  }
0x3: {  	_ = 	snop  }
0x4: {  	_ = 	snop  }
0x5: {  	_ = 	snop  }
0x6: {  	_ = 	snop  }
0x7: {  	_ = 	snop  }
__scs_overlays_trampoline_lowered:
0x8: {  	[smem:$0x3FAE] =	sst s0  }
0x9: {  	[smem:$0x3FAF] =	sst s1  }
0xa: {  	[smem:$0x3FB0] =	sst s2  }
0xb: {  	[smem:$0x3FB1] =	sst s3  }
0xc: {  	[smem:$0x3FB2] =	sst s4  }
0xd: {  	[smem:$0x3FB3] =	sst s5  }
0xe: {  	[smem:$0x3FB4] =	sst s6  }
0xf: {  	[smem:$0x3FB5] =	sst s7  }
0x10: {  	[smem:$0x3FB6] =	sst s8  }
0x11: {  	[smem:$0x3FB7] =	sst s9;
	s0 =	simm.s32 @!p0 $0x0  }
0x12: {  	s1 =	sld [smem:$0x3F9D];
	s0 =	simm.s32 @p0 $0x1  }
0x13: {  	[smem:$0x3FB8] =	sst s0;
	s0 =	simm.s32 @!p1 $0x0  }
0x14: {  	s2 =	sld [smem:$0x3F9C];
	s0 =	simm.s32 @p1 $0x1  }
0x15: {  	[smem:$0x3FB9] =	sst s0;
	s0 =	simm.s32 @!p2 $0x0  }
0x16: {  	s3 =	sld [smem:$0x3FDB];
	s0 =	simm.s32 @p2 $0x1  }
0x17: {  	s4 =	simm.s32 $0x1BF5;
	[smem:$0x3FBB] =	sst s0  }
0x18: {  	s0 =	sld [smem:$0x3F9E];
	_ =	swait.ge [sflag:s4], $0x0  }
0x19: {  	s7 =	sld [smem:$0x3F9F]  }
0x1a: {  	s8 =	sadd.s32 $0xFFFFE003, lr  }
0x1b: {  	s9 =	sadd.s32 $0xFFFFFEF7, lr;
	s5 =	simm.s32 $0xFFFFFFFF;
	p2 =	slt.u32 s8, $0xFFFFF086  }
0x1c: {  	p1 =	slt.u32 s9, $0xF7A;
	s5 =	simm.s32 @!p2 $0x0  }
0x1d: {  	s5 =	simm.s32 @p1 $0x1;
	p0 =	seq.s32 s7, s2  }
0x1e: {  	s7 =	smul.u32 @!p0 $0xF7A, s2;
	p2 =	seq.s32 @!p0 s5, $0x0  }
0x1f: {  	s9 =	smul.u32 $0xF7A, s1;
	s8 =	simm.s32 @!p0 $0x1BF5;
	p2 =	por !p2, p0  }
0x20: {  	[sflag:s8] =	ssyncset.s32 @!p0 $0xFFFFF086;
	s6 =	sadd.s32 @!p0 s3, s7;
	s7 =	simm.s32 @!p0 $0x108  }
0x21: {  	s3 =	sadd.s32 s3, s9;
	s6 =	sadd.s32 @!p0 $0x88, s6;
	s7 =	simm.s32 @p2 $0x1082  }
0x22: {  	[simem:s7], [sflag:s8] =	dma.local @!p0 [hbm:s6], $0xF7A  }
0x23: {  	s9 =	sor.u32 $0xD0000000, s2;
	s6 =	simm.s32 $0x108;
	_ =	swait.ge @!p0 [sflag:s8], $0x0  }
0x24: {  	s3 =	sadd.s32 $0x88, s3;
	s6 =	simm.s32 @!p1 $0x1082;
	[sflag:s4] =	ssyncset.s32 $0xFFFFF086  }
0x25: {  	[simem:s6], [sflag:s4] =	dma.local [hbm:s3], $0xF7A  }
0x26: {  	[smem:$0x3F9F] =	sst s1;
	(tag) =	ssettag s2;
	_ =	strace s9  }
0x27: {  	s1 =	sld [smem:$0x3FAF]  }
0x28: {  	s2 =	sld [smem:$0x3FB0]  }
0x29: {  	s4 =	sld [smem:$0x3FB2]  }
0x2a: {  	p0 =	seq.s32 s5, $0x0;
	s5 =	sld [smem:$0x3FB3]  }
0x2b: {  	s6 =	sld [smem:$0x3FB4]  }
0x2c: {  	s7 =	sld [smem:$0x3FB5]  }
0x2d: {  	s3 =	simm.s32 $0x108;
	s8 =	sld [smem:$0x3FB6]  }
0x2e: {  	s3 =	simm.s32 @!p0 $0x1082;
	s9 =	sld [smem:$0x3FB7]  }
0x2f: {  	lr =	sadd.s32 s0, s3;
	s0 =	sld [smem:$0x3FAE]  }
0x30: {  	s3 =	sld [smem:$0x3FB1]  }
0x31: {  	[smem:$0x3FBA] =	sst s10  }
0x32: {  	s10 =	sld [smem:$0x3FB8];
	_ =	sdelay $0x3  }
0x33: {  	p0 =	seq.s32 s10, $0x1;
	s10 =	sld [smem:$0x3FBA];
	_ =	sdelay $0x3  }
0x34: {  	[smem:$0x3FBA] =	sst s10  }
0x35: {  	s10 =	sld [smem:$0x3FB9];
	_ =	sdelay $0x3  }
0x36: {  	p1 =	seq.s32 s10, $0x1;
	s10 =	sld [smem:$0x3FBA];
	_ =	sdelay $0x3  }
0x37: {  	[smem:$0x3FBA] =	sst s10  }
0x38: {  	s10 =	sld [smem:$0x3FBB]  }
0x39: {  	_ = 	snop;
	(pc) =	sbr.ind lr, $3  }
0x3a: {  	_ = 	snop  }
0x3b: {  	_ = 	snop  }
0x3c: {  	p2 =	seq.s32 s10, $0x1;
	s10 =	sld [smem:$0x3FBA]  }
0x3d: {  	_ =	shalt  }
0x3e: {  	_ =	shalt  }
0x3f: {  	_ =	shalt  }
0x40: {  	_ =	shalt  }
0x41: {  	_ =	shalt  }
0x42: {  	_ =	shalt  }
0x43: {  	_ =	shalt  }
0x44: {  	_ =	shalt  }
0x45: {  	_ =	shalt  }
0x46: {  	_ =	shalt  }
0x47: {  	_ =	shalt  }
0x48: {  	_ =	shalt  }
0x49: {  	_ =	shalt  }
0x4a: {  	_ =	shalt  }
0x4b: {  	_ =	shalt  }
0x4c: {  	_ =	shalt  }
0x4d: {  	_ =	shalt  }
0x4e: {  	_ =	shalt  }
0x4f: {  	_ =	shalt  }
0x50: {  	_ =	shalt  }
0x51: {  	_ =	shalt  }
0x52: {  	_ =	shalt  }
0x53: {  	_ =	shalt  }
0x54: {  	_ =	shalt  }
0x55: {  	_ =	shalt  }
0x56: {  	_ =	shalt  }
0x57: {  	_ =	shalt  }
0x58: {  	_ =	shalt  }
0x59: {  	_ =	shalt  }
0x5a: {  	_ =	shalt  }
0x5b: {  	_ =	shalt  }
0x5c: {  	_ =	shalt  }
0x5d: {  	_ =	shalt  }
0x5e: {  	_ =	shalt  }
0x5f: {  	_ =	shalt  }
0x60: {  	_ =	shalt  }
0x61: {  	_ =	shalt  }
0x62: {  	_ =	shalt  }
0x63: {  	_ =	shalt  }
0x64: {  	_ =	shalt  }
0x65: {  	_ =	shalt  }
0x66: {  	_ =	shalt  }
0x67: {  	_ =	shalt  }
0x68: {  	_ =	shalt  }
0x69: {  	_ =	shalt  }
0x6a: {  	_ =	shalt  }
0x6b: {  	_ =	shalt  }
0x6c: {  	_ =	shalt  }
0x6d: {  	_ =	shalt  }
0x6e: {  	_ =	shalt  }
0x6f: {  	_ =	shalt  }
0x70: {  	_ =	shalt  }
0x71: {  	_ =	shalt  }
0x72: {  	_ =	shalt  }
0x73: {  	_ =	shalt  }
0x74: {  	_ =	shalt  }
0x75: {  	_ =	shalt  }
0x76: {  	_ =	shalt  }
0x77: {  	_ =	shalt  }
0x78: {  	_ =	shalt  }
0x79: {  	_ =	shalt  }
0x7a: {  	_ =	shalt  }
0x7b: {  	_ =	shalt  }
0x7c: {  	_ =	shalt  }
0x7d: {  	_ =	shalt  }
0x7e: {  	_ =	shalt  }
0x7f: {  	_ =	shalt  }
0x80: {  	_ =	shalt  }
0x81: {  	_ =	shalt  }
0x82: {  	_ =	shalt  }
0x83: {  	_ =	shalt  }
0x84: {  	_ =	shalt  }
0x85: {  	_ =	shalt  }
0x86: {  	_ =	shalt  }
0x87: {  	_ =	shalt  }
.Lfunc_end0:
.L_simem_size_0:
called_computation_lowered:
.L_overlay_start_0:
0x88: {  	s2 =	sld [smem:$0x3FD9]  }
0x89: {  	s3 =	sld [smem:$0x3FFE];
	_ =	sdelay $0x1  }
0x8a: {  	s1 =	srdreg.scid  }
0x8b: {  	s0 =	sand.u32 $0x1, s1  }
0x8c: {  	s18 =	sshll.u32 s0, $0xA;
	s2 =	sadd.s32 s3, s2  }
0x8d: {  	s2 =	sadd.s32 s2, s18  }
0x8e: {  	[smem:$0x3FC6] =	sst s2  }
0x8f: {  	_ = 	snop  }
0x90: {  	s2 =	sld [smem:$0x3FC9]  }
0x91: {  	s19 =	sld [smem:$0x3FC8]  }
0x92: {  	s4 =	sld [smem:$0x3FD0];
	(tm) =	ssettm $0x1  }
0x93: {  	s5 =	sld [smem:$0x3FFB];
	_ =	sdelay $0x3  }
0x94: {  	_ =	strace s5  }
0x95: {  	s5 =	sld [smem:$0x3FFC];
	_ =	sdelay $0x3  }
0x96: {  	_ =	strace s5  }
0x97: {  	s5 =	sld [smem:$0x3FFD];
	_ =	sdelay $0x3  }
0x98: {  	_ =	strace s5  }
0x99: {  	_ =	strace $0x8FFFFFFF  }
0x9a: {  	s20 =	sld [smem:$0x3FDB];
	_ =	sdelay $0x1  }
0x9b: {  	s6 =	simm.s32 $_scs_section_size  }
0x9c: {  	s7 =	simm.s32 $_size__tile_overlayer_lowered;
	s8 =	simm.s32 $_tile_overlayer_lowered  }
0x9d: {  	s23 =	simm.s32 $0x1BFF;
	s22 =	sshll.u32 s8, $0x1;
	s5 =	sadd.s32 s6, s20  }
0x9e: {  	s9 =	simm.s32 $0x0;
	s21 =	sshll.u32 s7, $0x1;
	s7 =	sadd.s32 s22, s5  }
0x9f: {  	[timem:s9], [sflag:s23] =	dma.local [hbm:s7], s21  }
0xa0: {  	_ =	swait.ge [sflag:s23], s21  }
0xa1: {  	s6 =	ssub.s32 $0x0, s21;
	[sflag:s23] =	ssyncset.done $0x0  }
0xa2: {  	[sflag:s23] =	ssyncadd.s32 s6;
	_ =	sdelay $0x1  }
0xa3: {  	s24 =	simm.s32 $0x1B8B  }
0xa4: {  	_ =	swait.ge [sflag:s24], $0x1  }
0xa5: {  	[sflag:s24] =	ssyncset.done $0x0  }
0xa6: {  	s25 =	simm.s32 $0x1B8E;
	[sflag:s24] =	ssyncadd.s32 $0xFFFFFFFF  }
0xa7: {  	s26 =	simm.s32 $execute0_lowered;
	[smem:$0x3FD2] =	sst s25  }
0xa8: {  	s6 =	sshll.u32 s26, $0x1;
	_ =	strace $0x80000046;
	[dreg:$0x1] =	wrdreg $0xFFFFFFFF  }
0xa9: {  	s28 =	simm.s32 $_size_execute0_lowered;
	s5 =	sadd.s32 s5, s6;
	[dreg:$0x0] =	wrdreg $0x0  }
0xaa: {  	s6 =	sshll.u32 s28, $0x1;
	[dreg:$0x2] =	wrdreg s5  }
0xab: {  	[dreg:$0x3] =	wrdreg s6  }
0xac: {  	[dreg:$0x4] =	wrdreg $0xC0  }
0xad: {  	_ =	task [dreg:s9], $0x5FFFF  }
0xae: {  	[dreg:$0x1] =	wrdreg $0xFFFFFFFF  }
0xaf: {  	[dreg:$0x0] =	wrdreg $0x60  }
0xb0: {  	[dreg:$0x2] =	wrdreg s19  }
0xb1: {  	[dreg:$0x3] =	wrdreg s2  }
0xb2: {  	[dreg:$0x4] =	wrdreg s4  }
0xb3: {  	[dreg:$0x5] =	wrdreg $0x9  }
0xb4: {  	_ =	task.clear_ibuf [dreg:s9], $0x6FFFF;
	_ =	strace $0x90000046  }
0xb5: {  	s29 =	simm.s32 $0x9;
	_ =	strace $0x80000048  }
0xb6: {  	_ =	swait.ge [sflag:s29], $0x1  }
0xb7: {  	[sflag:s29] =	ssyncadd.s32 $0xFFFFFFFF  }
0xb8: {  	_ =	strace $0x90000048  }
0xb9: {  	_ =	sfence  }
0xba: {  	s30 =	sld [smem:$0x0];
	_ =	sdelay $0x2  }
0xbb: {  	s31 =	sshll.u32 s1, $0xD;
	s1 =	sshrl.u32 s1, $0x2  }
0xbc: {  	s3 =	sand.u32 $0x4000, s31;
	s1 =	sadd.s32 s1, s30  }
0xbd: {  	s0 =	sor.u32 s3, s0;
	s1 =	sshll.u32 s1, $0x11  }
0xbe: {  	s0 =	sor.u32 s1, s0  }
0xbf: {  	s0 =	sadd.s32 $0x8F2B, s0  }
0xc0: {  	[sflag:s0] =	ssyncadd.remote.s32 $0x1  }
0xc1: {  	_ =	sfence.sel $0xFFFF  }
0xc2: {  	[dreg:$0x0] =	wrdreg $0xFFFFFFFF;
	(pc) =	sbr.abs _section_cstart, $3  }
0xc3: {  	[dreg:$0x1] =	wrdreg $0xFFFFFFFF  }
0xc4: {  	_ =	task.clear_ibuf [dreg:s9], $0x2FFFF;
	_ =	strace $0x9FFFFFFF  }
0xc5: {  	(tm) =	ssettm $0x7FFFFFFF  }
tec
execute0_lowered:
.L_overlay_start_1:
0x0: {  	(tag) =	ssettag $0x1  }
0x1: {  	v0 =	vlaneseq.u32;
	v1 =	vimm.s32 $0x1380  }
0x2: {  	vm0 =	vcmask $0x300;
	v2 =	vimm.s32 $0x3380;
	vm1 =	vcmask $0x704  }
0x3: {  	vm15 =	vcmask $0xB08;
	vm4 =	vcmask $0xF0C;
	vm5 =	vcmask $0x1310  }
0x4: {  	vm6 =	vcmask $0x1714;
	vm7 =	vcmask $0x1B18;
	vm8 =	vcmask $0x1F1C  }
0x5: {  	s0 =	rddreg [dreg:$0x0];
	vm9 =	vcmask $0x2320;
	vm10 =	vcmask $0x2724;
	vm11 =	vcmask $0x2B28  }
0x6: {  	s3 =	rddreg [dreg:$0x1];
	vm12 =	vcmask $0x2F2C;
	vm13 =	vcmask $0x3330;
	v1 =	vsel vm0, $0x0, v1  }
0x7: {  	s4 =	rddreg [dreg:$0x2];
	v0 =	vmul.u32 $0x80, v0;
	v2 =	vsel vm0, $0x2000, v2;
	v1 =	vsel vm1, $0x80, v1  }
0x8: {  	vm14 =	vcmask $0x3734;
	[dreg:$0x4] =	wrdreg s0;
	v2 =	vsel vm1, $0x2080, v2;
	v1 =	vsel vm15, $0x100, v1  }
0x9: {  	s1 =	simm.s32 $0x0;
	s0 =	rddreg [dreg:$0x3];
	v2 =	vsel vm15, $0x2100, v2;
	vm15 =	vcmask $0x3B38;
	v4 =	vor.u32 $0x1000, v0  }
0xa: {  	s5 =	srdreg.scid;
	s6 =	simm.s32 $0x1200;
	[smem:$0x7FF] =	sst s1;
	v5 =	vor.u32 $0x1800, v0;
	v6 =	vor.u32 $0x2000, v0;
	v7 =	vor.u32 $0x2800, v0  }
0xb: {  	s18 =	simm.s32 $0x2200;
	_ =	strace $0x80000047;
	[dreg:$0x5] =	wrdreg s6;
	v8 =	vor.u32 $0x3000, v0;
	v9 =	vor.u32 $0x3800, v0;
	v10 =	vor.u32 $0x4000, v0  }
0xc: {  	s2 =	stileid.u32;
	s19 =	simm.s32 $0x3200;
	[dreg:$0x6] =	wrdreg s18;
	v11 =	vor.u32 $0x4800, v0;
	v12 =	vor.u32 $0x5000, v0;
	v13 =	vor.u32 $0x5800, v0  }
0xd: {  	s20 =	simm.s32 $0x4200;
	s22 =	simm.s32 $0x5200;
	[dreg:$0x7] =	wrdreg s19;
	v14 =	vor.u32 $0x6000, v0;
	v15 =	vor.u32 $0x6800, v0;
	v16 =	vor.u32 $0x7000, v0  }
0xe: {  	s23 =	simm.s32 $0x6200;
	s24 =	simm.s32 $0x7200;
	[dreg:$0x8] =	wrdreg s20;
	v17 =	vor.u32 $0x7800, v0;
	v18 =	vor.u32 $0x8000, v0;
	v19 =	vor.u32 $0x8800, v0  }
0xf: {  	s25 =	simm.s32 $0x8200;
	s26 =	simm.s32 $0x9200;
	[dreg:$0x9] =	wrdreg s22;
	v20 =	vor.u32 $0x9000, v0;
	v21 =	vor.u32 $0x9800, v0;
	v22 =	vor.u32 $0xA000, v0  }
0x10: {  	s28 =	simm.s32 $0xA200;
	s29 =	simm.s32 $0xB200;
	[dreg:$0xa] =	wrdreg s23;
	v23 =	vor.u32 $0xA800, v0;
	v1 =	vsel vm4, $0x180, v1;
	v2 =	vsel vm4, $0x2180, v2  }
0x11: {  	s30 =	simm.s32 $0xC200;
	s9 =	simm.s32 $0xD200;
	[dreg:$0xb] =	wrdreg s24;
	v24 =	vor.u32 $0xB000, v0;
	v1 =	vsel vm5, $0x200, v1;
	v2 =	vsel vm5, $0x2200, v2  }
0x12: {  	s10 =	simm.s32 $0xE200;
	s31 =	simm.s32 $0xF200;
	[dreg:$0xc] =	wrdreg s25;
	v25 =	vor.u32 $0xB800, v0;
	v1 =	vsel vm6, $0x280, v1;
	v2 =	vsel vm6, $0x2280, v2  }
0x13: {  	s11 =	simm.s32 $0x10200;
	s12 =	simm.s32 $0x1000;
	[dreg:$0xd] =	wrdreg s26;
	v26 =	vor.u32 $0xC000, v0;
	v1 =	vsel vm7, $0x300, v1;
	v2 =	vsel vm7, $0x2300, v2  }
0x14: {  	s13 =	simm.s32 $0x20000;
	s14 =	simm.s32 $0x0;
	[dreg:$0xe] =	wrdreg s28;
	v27 =	vor.u32 $0xC800, v0;
	v1 =	vsel vm8, $0x380, v1;
	v2 =	vsel vm8, $0x2380, v2  }
0x15: {  	s5 =	sand.u32 $0x1, s5;
	s21 =	sshll.u32 s2, $0xA;
	[dreg:$0xf] =	wrdreg s29;
	v28 =	vor.u32 $0xD000, v0;
	v1 =	vsel vm9, $0x1000, v1;
	v2 =	vsel vm9, $0x3000, v2  }
0x16: {  	s7 =	ssub.s32 $0x2, s5;
	s5 =	sshll.u32 s5, $0x9;
	[dreg:$0x10] =	wrdreg s30;
	v29 =	vor.u32 $0xD800, v0;
	v1 =	vsel vm10, $0x1080, v1;
	v2 =	vsel vm10, $0x3080, v2  }
0x17: {  	s6 =	simm.s32 $0x2;
	[dreg:$0x11] =	wrdreg s9;
	s9 =	simm.s32 $0x200;
	v30 =	vor.u32 $0xE000, v0;
	v1 =	vsel vm11, $0x1100, v1;
	v2 =	vsel vm11, $0x3100, v2  }
0x18: {  	[dreg:$0x12] =	wrdreg s10;
	s8 =	sshrl.u32 s7, $0x1;
	s5 =	sor.u32 s5, s21;
	v31 =	vor.u32 $0xE800, v0;
	v1 =	vsel vm12, $0x1180, v1;
	v2 =	vsel vm12, $0x3180, v2  }
0x19: {  	[dreg:$0x13] =	wrdreg s31;
	v32 =	vor.u32 $0xF000, v0;
	s7 =	ssub.s32 s7, s8;
	s8 =	sshrl.u32 s5, $0x3;
	v1 =	vsel vm13, $0x1200, v1;
	v2 =	vsel vm13, $0x3200, v2  }
0x1a: {  	s10 =	simm.s32 $0x1;
	v33 =	vor.u32 $0xF800, v0;
	s4 =	sadd.s32 s4, s5;
	s3 =	sadd.s32 s3, s8;
	v1 =	vsel vm14, $0x1280, v1;
	v3 =	vsel vm14, $0x3280, v2  }
0x1b: {  	s5 =	smax.u32 s7, $0x1;
	s7 =	simm.s32 $0x400;
	s8 =	simm.s32 $0x7A1400;
	v2 =	vor.u32 $0x800, v0;
	v1 =	vsel vm15, $0x1300, v1;
	v3 =	vsel vm15, $0x3300, v3  }
.LBB2_1:
0x1c: {  	[tilespmem:s1], [sflag:$0x2] =	stream.linear.gather [hbm4b:s3+s1], $0x200, $0x38;
	[tilespmem:$0x14200] =	vst v63  }
0x1d: {  	_ =	swait.ge [sflag:s6], $0x200  }
0x1e: {  	[sflag:s6] =	ssyncset.done $0x0  }
0x1f: {  	s15 =	simm.s32 $0xF;
	s16 =	simm.s32 $0x0;
	[sflag:s6] =	ssyncadd.s32 $0xFFFFFE00  }
.LBB2_2:
0x20: {  	v34 =	vld [tilespmem:s16+$0x0];
	_ =	sdelay $0x4  }
0x21: {  	s17 =	rddreg [dreg:$0x4];
	v35 =	vand.u32 $0xFFFFFF80, v34  }
0x22: {  	v35 =	vadd.s32 s17, v35  }
0x23: {  	(v2sf) =	vpush v35, $0x0;
	_ =	sdelay $0x1  }
0x24: {  	(v2sf) =	vpush v35, $0x1;
	_ =	sdelay $0x1  }
0x25: {  	(v2sf) =	vpush v35, $0x2;
	_ =	sdelay $0x1  }
0x26: {  	(v2sf) =	vpush v35, $0x3;
	_ =	sdelay $0x1  }
0x27: {  	(v2sf) =	vpush v35, $0x4;
	_ =	sdelay $0x1  }
0x28: {  	(v2sf) =	vpush v35, $0x5;
	_ =	sdelay $0x1  }
0x29: {  	(v2sf) =	vpush v35, $0x6;
	_ =	sdelay $0x1  }
0x2a: {  	(v2sf) =	vpush v35, $0x7  }
0x2b: {  	s23 =	spop (v2sf)  }
0x2c: {  	(v2sf) =	vpush v35, $0x8;
	[tilespmem:s9], [sflag:$0x1] =	stream.strided.gather [hbm4b:s23+s7], $0x1000, s8, s7, $0x38;
	[tilespmem:$0x14200] =	vst v63  }
0x2d: {  	s18 =	rddreg [dreg:$0x5];
	s24 =	spop (v2sf)  }
0x2e: {  	(v2sf) =	vpush v35, $0x9;
	[tilespmem:s18], [sflag:$0x1] =	stream.strided.gather [hbm4b:s24+s7], $0x1000, s8, s7, $0x38;
	[tilespmem:$0x14200] =	vst v63  }
0x2f: {  	s19 =	rddreg [dreg:$0x6];
	s25 =	spop (v2sf)  }
0x30: {  	(v2sf) =	vpush v35, $0xA;
	[tilespmem:s19], [sflag:$0x1] =	stream.strided.gather [hbm4b:s25+s7], $0x1000, s8, s7, $0x38;
	[tilespmem:$0x14200] =	vst v63  }
0x31: {  	s26 =	rddreg [dreg:$0x7];
	s28 =	spop (v2sf)  }
0x32: {  	(v2sf) =	vpush v35, $0xB;
	[tilespmem:s26], [sflag:$0x1] =	stream.strided.gather [hbm4b:s28+s7], $0x1000, s8, s7, $0x38;
	[tilespmem:$0x14200] =	vst v63  }
0x33: {  	s29 =	rddreg [dreg:$0x8];
	s30 =	spop (v2sf)  }
0x34: {  	(v2sf) =	vpush v35, $0xC;
	[tilespmem:s29], [sflag:$0x1] =	stream.strided.gather [hbm4b:s30+s7], $0x1000, s8, s7, $0x38;
	[tilespmem:$0x14200] =	vst v63  }
0x35: {  	s31 =	rddreg [dreg:$0x9];
	s19 =	spop (v2sf)  }
0x36: {  	(v2sf) =	vpush v35, $0xD;
	[tilespmem:s31], [sflag:$0x1] =	stream.strided.gather [hbm4b:s19+s7], $0x1000, s8, s7, $0x38;
	[tilespmem:$0x14200] =	vst v63  }
0x37: {  	s20 =	rddreg [dreg:$0xa];
	s21 =	spop (v2sf)  }
0x38: {  	(v2sf) =	vpush v35, $0xE;
	[tilespmem:s20], [sflag:$0x1] =	stream.strided.gather [hbm4b:s21+s7], $0x1000, s8, s7, $0x38;
	[tilespmem:$0x14200] =	vst v63  }
0x39: {  	s22 =	rddreg [dreg:$0xb];
	s23 =	spop (v2sf)  }
0x3a: {  	(v2sf) =	vpush v35, $0xF;
	[tilespmem:s22], [sflag:$0x1] =	stream.strided.gather [hbm4b:s23+s7], $0x1000, s8, s7, $0x38;
	[tilespmem:$0x14200] =	vst v63  }
0x3b: {  	s24 =	rddreg [dreg:$0xc];
	s25 =	spop (v2sf)  }
0x3c: {  	[tilespmem:s24], [sflag:$0x1] =	stream.strided.gather [hbm4b:s25+s7], $0x1000, s8, s7, $0x38;
	[tilespmem:$0x14200] =	vst v63  }
0x3d: {  	s26 =	rddreg [dreg:$0xd];
	s28 =	spop (v2sf)  }
0x3e: {  	[tilespmem:s26], [sflag:$0x1] =	stream.strided.gather [hbm4b:s28+s7], $0x1000, s8, s7, $0x38;
	[tilespmem:$0x14200] =	vst v63  }
0x3f: {  	s29 =	rddreg [dreg:$0xe];
	s30 =	spop (v2sf)  }
0x40: {  	[tilespmem:s29], [sflag:$0x1] =	stream.strided.gather [hbm4b:s30+s7], $0x1000, s8, s7, $0x38;
	[tilespmem:$0x14200] =	vst v63  }
0x41: {  	s31 =	rddreg [dreg:$0xf];
	s20 =	spop (v2sf)  }
0x42: {  	[tilespmem:s31], [sflag:$0x1] =	stream.strided.gather [hbm4b:s20+s7], $0x1000, s8, s7, $0x38;
	[tilespmem:$0x14200] =	vst v63  }
0x43: {  	s21 =	rddreg [dreg:$0x10];
	s22 =	spop (v2sf)  }
0x44: {  	[tilespmem:s21], [sflag:$0x1] =	stream.strided.gather [hbm4b:s22+s7], $0x1000, s8, s7, $0x38;
	[tilespmem:$0x14200] =	vst v63  }
0x45: {  	s23 =	rddreg [dreg:$0x11];
	s24 =	spop (v2sf)  }
0x46: {  	[tilespmem:s23], [sflag:$0x1] =	stream.strided.gather [hbm4b:s24+s7], $0x1000, s8, s7, $0x38;
	[tilespmem:$0x14200] =	vst v63  }
0x47: {  	s25 =	rddreg [dreg:$0x12];
	s26 =	spop (v2sf)  }
0x48: {  	[tilespmem:s25], [sflag:$0x1] =	stream.strided.gather [hbm4b:s26+s7], $0x1000, s8, s7, $0x38;
	[tilespmem:$0x14200] =	vst v63  }
0x49: {  	s28 =	rddreg [dreg:$0x13];
	s29 =	spop (v2sf)  }
0x4a: {  	[tilespmem:s28], [sflag:$0x1] =	stream.strided.gather [hbm4b:s29+s7], $0x1000, s8, s7, $0x38;
	[tilespmem:$0x14200] =	vst v63  }
0x4b: {  	_ =	swait.ge [sflag:s10], $0x1000  }
0x4c: {  	[sflag:s10] =	ssyncset.done $0x0  }
0x4d: {  	[sflag:s10] =	ssyncadd.s32 $0xFFFFF000  }
0x4e: {  	_ =	swait.ge [sflag:s10], $0x1000  }
0x4f: {  	[sflag:s10] =	ssyncset.done $0x0  }
0x50: {  	[sflag:s10] =	ssyncadd.s32 $0xFFFFF000  }
0x51: {  	_ =	swait.ge [sflag:s10], $0x1000  }
0x52: {  	[sflag:s10] =	ssyncset.done $0x0  }
0x53: {  	[sflag:s10] =	ssyncadd.s32 $0xFFFFF000  }
0x54: {  	_ =	swait.ge [sflag:s10], $0x1000  }
0x55: {  	[sflag:s10] =	ssyncset.done $0x0  }
0x56: {  	[sflag:s10] =	ssyncadd.s32 $0xFFFFF000  }
0x57: {  	_ =	swait.ge [sflag:s10], $0x1000  }
0x58: {  	[sflag:s10] =	ssyncset.done $0x0  }
0x59: {  	[sflag:s10] =	ssyncadd.s32 $0xFFFFF000  }
0x5a: {  	_ =	swait.ge [sflag:s10], $0x1000  }
0x5b: {  	[sflag:s10] =	ssyncset.done $0x0  }
0x5c: {  	[sflag:s10] =	ssyncadd.s32 $0xFFFFF000  }
0x5d: {  	_ =	swait.ge [sflag:s10], $0x1000  }
0x5e: {  	[sflag:s10] =	ssyncset.done $0x0  }
0x5f: {  	[sflag:s10] =	ssyncadd.s32 $0xFFFFF000  }
0x60: {  	_ =	swait.ge [sflag:s10], $0x1000  }
0x61: {  	[sflag:s10] =	ssyncset.done $0x0  }
0x62: {  	[sflag:s10] =	ssyncadd.s32 $0xFFFFF000  }
0x63: {  	_ =	swait.ge [sflag:s10], $0x1000  }
0x64: {  	[sflag:s10] =	ssyncset.done $0x0  }
0x65: {  	[sflag:s10] =	ssyncadd.s32 $0xFFFFF000  }
0x66: {  	_ =	swait.ge [sflag:s10], $0x1000  }
0x67: {  	[sflag:s10] =	ssyncset.done $0x0  }
0x68: {  	[sflag:s10] =	ssyncadd.s32 $0xFFFFF000  }
0x69: {  	_ =	swait.ge [sflag:s10], $0x1000  }
0x6a: {  	[sflag:s10] =	ssyncset.done $0x0  }
0x6b: {  	[sflag:s10] =	ssyncadd.s32 $0xFFFFF000  }
0x6c: {  	_ =	swait.ge [sflag:s10], $0x1000  }
0x6d: {  	[sflag:s10] =	ssyncset.done $0x0  }
0x6e: {  	[sflag:s10] =	ssyncadd.s32 $0xFFFFF000  }
0x6f: {  	_ =	swait.ge [sflag:s10], $0x1000  }
0x70: {  	[sflag:s10] =	ssyncset.done $0x0  }
0x71: {  	[sflag:s10] =	ssyncadd.s32 $0xFFFFF000  }
0x72: {  	_ =	swait.ge [sflag:s10], $0x1000  }
0x73: {  	v34 =	vand.u32 $0x7F, v34;
	[sflag:s10] =	ssyncset.done $0x0  }
0x74: {  	v57 =	vbroadcast v34, $0x0;
	[sflag:s10] =	ssyncadd.s32 $0xFFFFF000  }
0x75: {  	_ =	swait.ge [sflag:s10], $0x1000  }
0x76: {  	v36 =	vor.u32 v0, v57;
	s30 =	sadd.s32 $0xFFFFFFF1, s15;
	[sflag:s10] =	ssyncset.done $0x0  }
0x77: {  	v37 =	vmov s30;
	[sflag:s10] =	ssyncadd.s32 $0xFFFFF000  }
0x78: {  	v38 =	vshll.u32 v37, $0x3;
	_ =	swait.ge [sflag:s10], $0x1000  }
0x79: {  	v37 =	vand.u32 $0x70, v37;
	v38 =	vand.u32 $0xC00, v38;
	[sflag:s10] =	ssyncset.done $0x0  }
0x7a: {  	v37 =	vor.u32 v37, v38;
	[sflag:s10] =	ssyncadd.s32 $0xFFFFF000  }
0x7b: {  	v38 =	vor.u32 v1, v37;
	v36 =	vld.idx.msk [tilespmem:v36+s9+$0x0], $0xffff  }
0x7c: {  	v35 =	vor.u32 v2, v57;
	_ =	sdelay $0x3  }
0x7d: {  	v58 =	vbroadcast v34, $0x1;
	[tilespmem:v38+s11+$0x0] =	vst.idx.msk $0xffff, v36  }
0x7e: {  	v37 =	vor.u32 v3, v37;
	v35 =	vld.idx.msk [tilespmem:v35+s9+$0x0], $0xffff  }
0x7f: {  	v59 =	vor.u32 v4, v58;
	s31 =	sadd.s32 $0xFFFFFFF2, s15  }
0x80: {  	v39 =	vmov s31  }
0x81: {  	v40 =	vshll.u32 v39, $0x3  }
0x82: {  	v39 =	vand.u32 $0x71, v39;
	v40 =	vand.u32 $0xC00, v40  }
0x83: {  	v60 =	vor.u32 v39, v40;
	[tilespmem:v37+s11+$0x0] =	vst.idx.msk $0xffff, v35  }
0x84: {  	v61 =	vor.u32 v1, v60;
	v37 =	vld.idx.msk [tilespmem:v59+s9+$0x0], $0xffff  }
0x85: {  	v36 =	vor.u32 v5, v58;
	_ =	sdelay $0x3  }
0x86: {  	v62 =	vbroadcast v34, $0x2;
	[tilespmem:v61+s11+$0x0] =	vst.idx.msk $0xffff, v37  }
0x87: {  	v35 =	vor.u32 v3, v60;
	v36 =	vld.idx.msk [tilespmem:v36+s9+$0x0], $0xffff  }
0x88: {  	v63 =	vor.u32 v6, v62;
	s18 =	sadd.s32 $0xFFFFFFF3, s15  }
0x89: {  	v44 =	vmov s18  }
0x8a: {  	v45 =	vshll.u32 v44, $0x3  }
0x8b: {  	v39 =	vand.u32 $0x72, v44;
	v40 =	vand.u32 $0xC00, v45  }
0x8c: {  	v46 =	vor.u32 v39, v40;
	[tilespmem:v35+s11+$0x0] =	vst.idx.msk $0xffff, v36  }
0x8d: {  	v47 =	vor.u32 v1, v46;
	v36 =	vld.idx.msk [tilespmem:v63+s9+$0x0], $0xffff  }
0x8e: {  	v37 =	vor.u32 v7, v62;
	_ =	sdelay $0x3  }
0x8f: {  	v48 =	vbroadcast v34, $0x3;
	[tilespmem:v47+s11+$0x0] =	vst.idx.msk $0xffff, v36  }
0x90: {  	v35 =	vor.u32 v3, v46;
	v37 =	vld.idx.msk [tilespmem:v37+s9+$0x0], $0xffff  }
0x91: {  	v49 =	vor.u32 v8, v48;
	s19 =	sadd.s32 $0xFFFFFFF4, s15  }
0x92: {  	v50 =	vmov s19  }
0x93: {  	v51 =	vshll.u32 v50, $0x3  }
0x94: {  	v39 =	vand.u32 $0x73, v50;
	v40 =	vand.u32 $0xC00, v51  }
0x95: {  	v52 =	vor.u32 v39, v40;
	[tilespmem:v35+s11+$0x0] =	vst.idx.msk $0xffff, v37  }
0x96: {  	v53 =	vor.u32 v1, v52;
	v37 =	vld.idx.msk [tilespmem:v49+s9+$0x0], $0xffff  }
0x97: {  	v36 =	vor.u32 v9, v48;
	_ =	sdelay $0x3  }
0x98: {  	v54 =	vbroadcast v34, $0x4;
	[tilespmem:v53+s11+$0x0] =	vst.idx.msk $0xffff, v37  }
0x99: {  	v35 =	vor.u32 v3, v52;
	v36 =	vld.idx.msk [tilespmem:v36+s9+$0x0], $0xffff  }
0x9a: {  	v55 =	vor.u32 v10, v54;
	s20 =	sadd.s32 $0xFFFFFFF5, s15  }
0x9b: {  	v56 =	vmov s20  }
0x9c: {  	v57 =	vshll.u32 v56, $0x3  }
0x9d: {  	v39 =	vand.u32 $0x74, v56;
	v40 =	vand.u32 $0xC00, v57  }
0x9e: {  	v58 =	vor.u32 v39, v40;
	[tilespmem:v35+s11+$0x0] =	vst.idx.msk $0xffff, v36  }
0x9f: {  	v59 =	vor.u32 v1, v58;
	v36 =	vld.idx.msk [tilespmem:v55+s9+$0x0], $0xffff  }
0xa0: {  	v37 =	vor.u32 v11, v54;
	_ =	sdelay $0x3  }
0xa1: {  	v60 =	vbroadcast v34, $0x5;
	[tilespmem:v59+s11+$0x0] =	vst.idx.msk $0xffff, v36  }
0xa2: {  	v35 =	vor.u32 v3, v58;
	v37 =	vld.idx.msk [tilespmem:v37+s9+$0x0], $0xffff  }
0xa3: {  	s21 =	sadd.s32 $0xFFFFFFF6, s15;
	v61 =	vor.u32 v12, v60  }
0xa4: {  	v62 =	vmov s21  }
0xa5: {  	v63 =	vshll.u32 v62, $0x3  }
0xa6: {  	v39 =	vand.u32 $0x75, v62;
	v40 =	vand.u32 $0xC00, v63  }
0xa7: {  	v43 =	vor.u32 v39, v40;
	[tilespmem:v35+s11+$0x0] =	vst.idx.msk $0xffff, v37  }
0xa8: {  	v44 =	vor.u32 v1, v43;
	v37 =	vld.idx.msk [tilespmem:v61+s9+$0x0], $0xffff  }
0xa9: {  	v36 =	vor.u32 v13, v60;
	_ =	sdelay $0x3  }
0xaa: {  	v45 =	vbroadcast v34, $0x6;
	[tilespmem:v44+s11+$0x0] =	vst.idx.msk $0xffff, v37  }
0xab: {  	v35 =	vor.u32 v3, v43;
	v36 =	vld.idx.msk [tilespmem:v36+s9+$0x0], $0xffff  }
0xac: {  	s22 =	sadd.s32 $0xFFFFFFF7, s15;
	v46 =	vor.u32 v14, v45  }
0xad: {  	v47 =	vmov s22  }
0xae: {  	v48 =	vshll.u32 v47, $0x3  }
0xaf: {  	v39 =	vand.u32 $0x76, v47;
	v40 =	vand.u32 $0xC00, v48  }
0xb0: {  	v49 =	vor.u32 v39, v40;
	[tilespmem:v35+s11+$0x0] =	vst.idx.msk $0xffff, v36  }
0xb1: {  	v50 =	vor.u32 v1, v49;
	v36 =	vld.idx.msk [tilespmem:v46+s9+$0x0], $0xffff  }
0xb2: {  	v37 =	vor.u32 v15, v45;
	_ =	sdelay $0x3  }
0xb3: {  	v51 =	vbroadcast v34, $0x7;
	[tilespmem:v50+s11+$0x0] =	vst.idx.msk $0xffff, v36  }
0xb4: {  	v35 =	vor.u32 v3, v49;
	v37 =	vld.idx.msk [tilespmem:v37+s9+$0x0], $0xffff  }
0xb5: {  	s23 =	sadd.s32 $0xFFFFFFF8, s15;
	v52 =	vor.u32 v16, v51  }
0xb6: {  	v53 =	vmov s23  }
0xb7: {  	v54 =	vshll.u32 v53, $0x3  }
0xb8: {  	v39 =	vand.u32 $0x77, v53;
	v40 =	vand.u32 $0xC00, v54  }
0xb9: {  	v55 =	vor.u32 v39, v40;
	[tilespmem:v35+s11+$0x0] =	vst.idx.msk $0xffff, v37  }
0xba: {  	v56 =	vor.u32 v1, v55;
	v37 =	vld.idx.msk [tilespmem:v52+s9+$0x0], $0xffff  }
0xbb: {  	v36 =	vor.u32 v17, v51;
	_ =	sdelay $0x3  }
0xbc: {  	v57 =	vbroadcast v34, $0x8;
	[tilespmem:v56+s11+$0x0] =	vst.idx.msk $0xffff, v37  }
0xbd: {  	v35 =	vor.u32 v3, v55;
	v36 =	vld.idx.msk [tilespmem:v36+s9+$0x0], $0xffff  }
0xbe: {  	s24 =	sadd.s32 $0xFFFFFFF9, s15;
	v58 =	vor.u32 v18, v57  }
0xbf: {  	v59 =	vmov s24  }
0xc0: {  	v60 =	vshll.u32 v59, $0x3  }
0xc1: {  	v39 =	vand.u32 $0x78, v59;
	v40 =	vand.u32 $0xC00, v60  }
0xc2: {  	v61 =	vor.u32 v39, v40;
	[tilespmem:v35+s11+$0x0] =	vst.idx.msk $0xffff, v36  }
0xc3: {  	v62 =	vor.u32 v1, v61;
	v36 =	vld.idx.msk [tilespmem:v58+s9+$0x0], $0xffff  }
0xc4: {  	v37 =	vor.u32 v19, v57;
	_ =	sdelay $0x3  }
0xc5: {  	v63 =	vbroadcast v34, $0x9;
	[tilespmem:v62+s11+$0x0] =	vst.idx.msk $0xffff, v36  }
0xc6: {  	v35 =	vor.u32 v3, v61;
	v37 =	vld.idx.msk [tilespmem:v37+s9+$0x0], $0xffff  }
0xc7: {  	s25 =	sadd.s32 $0xFFFFFFFA, s15;
	v44 =	vor.u32 v20, v63  }
0xc8: {  	v45 =	vmov s25  }
0xc9: {  	v46 =	vshll.u32 v45, $0x3  }
0xca: {  	v39 =	vand.u32 $0x79, v45;
	v40 =	vand.u32 $0xC00, v46  }
0xcb: {  	v47 =	vor.u32 v39, v40;
	[tilespmem:v35+s11+$0x0] =	vst.idx.msk $0xffff, v37  }
0xcc: {  	v48 =	vor.u32 v1, v47;
	v37 =	vld.idx.msk [tilespmem:v44+s9+$0x0], $0xffff  }
0xcd: {  	v36 =	vor.u32 v21, v63;
	_ =	sdelay $0x3  }
0xce: {  	v49 =	vbroadcast v34, $0xA;
	[tilespmem:v48+s11+$0x0] =	vst.idx.msk $0xffff, v37  }
0xcf: {  	v35 =	vor.u32 v3, v47;
	v36 =	vld.idx.msk [tilespmem:v36+s9+$0x0], $0xffff  }
0xd0: {  	s26 =	sadd.s32 $0xFFFFFFFB, s15;
	v50 =	vor.u32 v22, v49  }
0xd1: {  	v51 =	vmov s26  }
0xd2: {  	v52 =	vshll.u32 v51, $0x3  }
0xd3: {  	v39 =	vand.u32 $0x7A, v51;
	v40 =	vand.u32 $0xC00, v52  }
0xd4: {  	v53 =	vor.u32 v39, v40;
	[tilespmem:v35+s11+$0x0] =	vst.idx.msk $0xffff, v36  }
0xd5: {  	v54 =	vor.u32 v1, v53;
	v36 =	vld.idx.msk [tilespmem:v50+s9+$0x0], $0xffff  }
0xd6: {  	v37 =	vor.u32 v23, v49;
	_ =	sdelay $0x3  }
0xd7: {  	v55 =	vbroadcast v34, $0xB;
	[tilespmem:v54+s11+$0x0] =	vst.idx.msk $0xffff, v36  }
0xd8: {  	v35 =	vor.u32 v3, v53;
	v37 =	vld.idx.msk [tilespmem:v37+s9+$0x0], $0xffff  }
0xd9: {  	s28 =	sadd.s32 $0xFFFFFFFC, s15;
	v56 =	vor.u32 v24, v55  }
0xda: {  	v57 =	vmov s28  }
0xdb: {  	v58 =	vshll.u32 v57, $0x3  }
0xdc: {  	v39 =	vand.u32 $0x7B, v57;
	v40 =	vand.u32 $0xC00, v58  }
0xdd: {  	v59 =	vor.u32 v39, v40;
	[tilespmem:v35+s11+$0x0] =	vst.idx.msk $0xffff, v37  }
0xde: {  	v60 =	vor.u32 v1, v59;
	v37 =	vld.idx.msk [tilespmem:v56+s9+$0x0], $0xffff  }
0xdf: {  	v36 =	vor.u32 v25, v55;
	_ =	sdelay $0x3  }
0xe0: {  	v61 =	vbroadcast v34, $0xC;
	[tilespmem:v60+s11+$0x0] =	vst.idx.msk $0xffff, v37  }
0xe1: {  	v35 =	vor.u32 v3, v59;
	v36 =	vld.idx.msk [tilespmem:v36+s9+$0x0], $0xffff  }
0xe2: {  	s29 =	sadd.s32 $0xFFFFFFFD, s15;
	v62 =	vor.u32 v26, v61  }
0xe3: {  	v63 =	vmov s29  }
0xe4: {  	v44 =	vshll.u32 v63, $0x3  }
0xe5: {  	v39 =	vand.u32 $0x7C, v63;
	v40 =	vand.u32 $0xC00, v44  }
0xe6: {  	v45 =	vor.u32 v39, v40;
	[tilespmem:v35+s11+$0x0] =	vst.idx.msk $0xffff, v36  }
0xe7: {  	v46 =	vor.u32 v1, v45;
	v36 =	vld.idx.msk [tilespmem:v62+s9+$0x0], $0xffff  }
0xe8: {  	v37 =	vor.u32 v27, v61;
	_ =	sdelay $0x3  }
0xe9: {  	v47 =	vbroadcast v34, $0xD;
	[tilespmem:v46+s11+$0x0] =	vst.idx.msk $0xffff, v36  }
0xea: {  	v35 =	vor.u32 v3, v45;
	v37 =	vld.idx.msk [tilespmem:v37+s9+$0x0], $0xffff  }
0xeb: {  	s30 =	sadd.s32 $0xFFFFFFFE, s15;
	v48 =	vor.u32 v28, v47  }
0xec: {  	v49 =	vmov s30  }
0xed: {  	v50 =	vshll.u32 v49, $0x3  }
0xee: {  	v39 =	vand.u32 $0x7D, v49;
	v40 =	vand.u32 $0xC00, v50  }
0xef: {  	v51 =	vor.u32 v39, v40;
	[tilespmem:v35+s11+$0x0] =	vst.idx.msk $0xffff, v37  }
0xf0: {  	v52 =	vor.u32 v1, v51;
	v37 =	vld.idx.msk [tilespmem:v48+s9+$0x0], $0xffff  }
0xf1: {  	v36 =	vor.u32 v29, v47;
	_ =	sdelay $0x3  }
0xf2: {  	v53 =	vbroadcast v34, $0xE;
	[tilespmem:v52+s11+$0x0] =	vst.idx.msk $0xffff, v37  }
0xf3: {  	v35 =	vor.u32 v3, v51;
	v36 =	vld.idx.msk [tilespmem:v36+s9+$0x0], $0xffff  }
0xf4: {  	s31 =	sadd.s32 $0xFFFFFFFF, s15;
	v54 =	vor.u32 v30, v53  }
0xf5: {  	v55 =	vmov s31  }
0xf6: {  	v56 =	vshll.u32 v55, $0x3  }
0xf7: {  	v39 =	vand.u32 $0x7E, v55;
	v40 =	vand.u32 $0xC00, v56  }
0xf8: {  	v57 =	vor.u32 v39, v40;
	[tilespmem:v35+s11+$0x0] =	vst.idx.msk $0xffff, v36  }
0xf9: {  	v58 =	vor.u32 v1, v57;
	v36 =	vld.idx.msk [tilespmem:v54+s9+$0x0], $0xffff  }
0xfa: {  	v37 =	vor.u32 v31, v53;
	_ =	sdelay $0x3  }
0xfb: {  	v34 =	vbroadcast v34, $0xF;
	[tilespmem:v58+s11+$0x0] =	vst.idx.msk $0xffff, v36  }
0xfc: {  	v35 =	vor.u32 v3, v57;
	v36 =	vld.idx.msk [tilespmem:v37+s9+$0x0], $0xffff  }
0xfd: {  	v59 =	vor.u32 v32, v34  }
0xfe: {  	v60 =	vmov s15  }
0xff: {  	v61 =	vshll.u32 v60, $0x3  }
0x100: {  	v38 =	vand.u32 $0x7F, v60;
	v39 =	vand.u32 $0xC00, v61  }
0x101: {  	v62 =	vor.u32 v38, v39;
	[tilespmem:v35+s11+$0x0] =	vst.idx.msk $0xffff, v36  }
0x102: {  	v63 =	vor.u32 v1, v62;
	v36 =	vld.idx.msk [tilespmem:v59+s9+$0x0], $0xffff  }
0x103: {  	v34 =	vor.u32 v33, v34;
	_ =	sdelay $0x3  }
0x104: {  	[tilespmem:v63+s11+$0x0] =	vst.idx.msk $0xffff, v36  }
0x105: {  	p0 =	sne.s32 s15, $0x1FF;
	v35 =	vor.u32 v3, v62;
	v34 =	vld.idx.msk [tilespmem:v34+s9+$0x0], $0xffff  }
.Ltmp0:
0x106: {  	_ = 	snop;
	(pc) =	sbr.rel @p0 .LBB2_2-.Ltmp0, $2  }
0x107: {  	_ =	sdelay $0x2  }
0x108: {  	s16 =	sadd.s32 $0x10, s16;
	s15 =	sadd.s32 $0x10, s15;
	[tilespmem:v35+s11+$0x0] =	vst.idx.msk $0xffff, v34  }
0x109: {  	s14 =	sadd.s32 $0x1, s14  }
0x10a: {  	p0 =	sne.s32 s14, s5  }
.Ltmp1:
0x10b: {  	_ = 	snop;
	(pc) =	sbr.rel @p0 .LBB2_1-.Ltmp1, $4  }
0x10c: {  	[hbm4b:s4+s12] =	stream.strided.scatter [tilespmem:s11], [sflag:$0x2], $0x4000, s13, s12, $0x38;
	[tilespmem:$0x14200] =	vst v63  }
0x10d: {  	_ =	swait.ge [sflag:s6], $0x4000  }
0x10e: {  	[sflag:s6] =	ssyncset.done $0x0  }
0x10f: {  	[sflag:s6] =	ssyncadd.s32 $0xFFFFC000  }
0x110: {  	_ =	sfence.sel $0x180000  }
0x111: {  	[bflag:$0x0] =	sbarrier.arrive $0xFFFF  }
0x112: {  	p0 =	sne.s32 s2, $0x0;
	_ =	strace $0x90000047  }
0x113: {  	s0 =	sadd.s32 @!p0 $0x100000, s0;
	[bflag:$0x2] =	sbarrier.arrive $0xFFFF  }
0x114: {  	[sflag:s0] =	ssyncadd.tile.s32 @!p0 $0x1;
	_ =	shalt  }
.Lfunc_end2:
_tile_overlayer_lowered:
.L_overlay_start_2:
0x115: {  	(tag) =	ssettag $0x2  }
0x116: {  	s0 =	rddreg [dreg:$0x0];
	s2 =	stileid.u32  }
0x117: {  	s1 =	rddreg [dreg:$0x1];
	p0 =	sne.s32 s2, $0x0  }
0x118: {  	s3 =	rddreg [dreg:$0x2];
	[bflag:$0x3] =	sbarrier.arrive $0xFFFF;
	s2 =	simm.s32 @!p0 $0x1C02  }
0x119: {  	[timem:s3], [sflag:s2] =	dma.local @!p0 [hbm:s0], s1  }
0x11a: {  	s0 =	simm.s32 @!p0 $0x2  }
0x11b: {  	_ =	swait.ge @!p0 [sflag:s0], s1  }
0x11c: {  	s1 =	ssub.s32 @!p0 $0x0, s1;
	[sflag:s0] =	ssyncset.done @!p0 $0x0  }
0x11d: {  	[sflag:s0] =	ssyncadd.s32 @!p0 s1  }
0x11e: {  	[bflag:$0x3] =	sbarrier.arrive $0xFFFF  }
0x11f: {  	_ =	shalt  }

</sc_bundles>
